<compile_context>
chip_gen: v7x
topology: tpu7x:2x2x1
jax: 0.10.2.dev20260603
libtpu: 0.0.44.dev20260713+nightly
codegen_flags: <defaults>
</compile_context>

<pallas_src>
import numpy as np
import jax
import jax.numpy as jnp
from jax import lax
from jax.experimental import pallas as pl
from jax.experimental.pallas import tpu as pltpu
from jax.experimental.pallas import tpu_sc as plsc

_POOLING_COUNTS = [15, 8, 8]
_N = 64
_B = 16
_D = 512
_RPC = 8
_NCHUNK = _D // _RPC
_NIDX = 84
_PLANE = _N * _N


def _mask2d_np():
    mask = np.zeros((_N, _N), dtype=bool)
    mask[np.arange(_N), np.arange(_N)] = True
    stride, offset = 1, 0
    for c in _POOLING_COUNTS:
        for _ in range(c):
            offset += stride
            i = np.arange(0, _N - offset)
            mask[i, i + offset] = True
        stride *= 2
    return mask


def _sc_body(start_hbm, end_hbm, pos_hbm, srci_hbm, srcj_hbm, zeros_hbm,
             out_hbm, slab_v, src_v, pos_v, buf_a, buf_b, sem_a, sem_b):
    b = lax.axis_index("s")
    half = lax.axis_index("c")

    @pl.when(half == 0)
    def _():
        pltpu.sync_copy(start_hbm.at[b], slab_v)
        pltpu.sync_copy(srci_hbm, src_v)

    @pl.when(half == 1)
    def _():
        pltpu.sync_copy(end_hbm.at[b], slab_v)
        pltpu.sync_copy(srcj_hbm, src_v)

    pltpu.sync_copy(pos_hbm, pos_v)
    pltpu.sync_copy(zeros_hbm, buf_a)
    pltpu.sync_copy(zeros_hbm, buf_b)

    row0 = half * _D

    def fill_and_send(chunk, buf, sem):
        c0 = chunk * _RPC

        @plsc.parallel_loop(0, _NIDX, unroll=4)
        def _(k):
            s16 = src_v[k]
            p16 = pos_v[k]
            for rr in range(_RPC):
                row = slab_v.at[pl.ds((c0 + rr) * _N, _N)]
                vals = plsc.load_gather(row, [s16])
                r16 = jnp.full((16,), rr, jnp.int32)
                plsc.store_scatter(buf, [r16, p16], vals)
        pltpu.async_copy(
            buf, out_hbm.at[b, pl.ds(row0 + chunk * _RPC, _RPC), :], sem)

    def drain(buf, sem):
        pltpu.make_async_copy(zeros_hbm, buf, sem).wait()

    fill_and_send(0, buf_a, sem_a)
    fill_and_send(1, buf_b, sem_b)

    def chunk_pair(g, carry):
        drain(buf_a, sem_a)
        fill_and_send(2 * g, buf_a, sem_a)
        drain(buf_b, sem_b)
        fill_and_send(2 * g + 1, buf_b, sem_b)
        return carry

    lax.fori_loop(1, _NCHUNK // 2, chunk_pair, 0)
    drain(buf_a, sem_a)
    drain(buf_b, sem_b)


def kernel(start, end):
    B, D, N = start.shape
    mask_np = _mask2d_np()
    ii, jj = np.nonzero(mask_np)
    pos_np = (ii * N + jj).astype(np.int32).reshape(_NIDX, 16)
    srci_np = ii.astype(np.int32).reshape(_NIDX, 16)
    srcj_np = jj.astype(np.int32).reshape(_NIDX, 16)

    mesh = plsc.VectorSubcoreMesh(core_axis_name="c", subcore_axis_name="s")
    sck = pl.kernel(
        _sc_body,
        out_type=jax.ShapeDtypeStruct((B, 2 * D, N * N), start.dtype),
        mesh=mesh,
        compiler_params=pltpu.CompilerParams(
            needs_layout_passes=False, skip_device_barrier=True),
        scratch_types=[
            pltpu.VMEM((D * N,), jnp.float32),
            pltpu.VMEM((_NIDX, 16), jnp.int32),
            pltpu.VMEM((_NIDX, 16), jnp.int32),
            pltpu.VMEM((_RPC, _PLANE), jnp.float32),
            pltpu.VMEM((_RPC, _PLANE), jnp.float32),
            pltpu.SemaphoreType.DMA,
            pltpu.SemaphoreType.DMA,
        ],
    )
    flat = sck(start.reshape(B, D * N), end.reshape(B, D * N),
               jnp.asarray(pos_np), jnp.asarray(srci_np), jnp.asarray(srcj_np),
               jnp.zeros((_RPC, _PLANE), jnp.float32))
    return flat.reshape(B, 2 * D, N, N), jnp.asarray(mask_np)

# --- scband reference (transcript-rebuilt; emitter-appended) ---
"""Pipeline reference for scband-sparse-boundary-cat-11759620456730 (READ-ONLY COPY).

The authoritative reference and input builder live on the scoring server;
editing this copy changes nothing except your own understanding.
"""

import jax, jax.numpy as jnp
import numpy as np

POOLING_COUNTS = [15, 8, 8]
N_CLIPS = 64

def _build_maskij(pooling_counts, N):
    mask2d = np.zeros((N, N), dtype=bool)
    mask2d[np.arange(N), np.arange(N)] = True
    stride, offset = 1, 0
    maskij = []
    for c in pooling_counts:
        for _ in range(c):
            offset += stride
            i = np.arange(0, N - offset)
            j = np.arange(offset, N)
            mask2d[i, j] = True
            maskij.append((i, j))
        stride *= 2
    return mask2d, maskij

def setup_inputs(seed: int = 0):
    key = jax.random.key(seed)
    k1, k2 = jax.random.split(key)
    start = jax.random.normal(k1, (16, 512, 64), dtype=jnp.float32)
    end = jax.random.normal(k2, (16, 512, 64), dtype=jnp.float32)
    return {"start": start, "end": end}

def reference(start, end):
    mask2d_np, maskij = _build_maskij(POOLING_COUNTS, N_CLIPS)
    B, D, N = start.shape
    map2d = jnp.zeros((B, 2 * D, N, N), dtype=start.dtype)
    r = jnp.arange(N)
    diag_vals = jnp.concatenate([start, end], axis=1)
    map2d = map2d.at[:, :, r, r].set(diag_vals)
    for i, j in maskij:
        i_arr = jnp.asarray(i)
        j_arr = jnp.asarray(j)
        tmp = jnp.concatenate((start[:, :, i_arr], end[:, :, j_arr]), axis=1)
        map2d = map2d.at[:, :, i_arr, j_arr].set(tmp)
    mask2d = jnp.asarray(mask2d_np)
    return (map2d, mask2d)

if __name__ == "__main__":
    import jax
    _d = setup_inputs()
    print(jax.jit(kernel)(*tuple(_d.values())))

</pallas_src>

<mosaic_0001>
#map = affine_map<(d0, d1) -> (0, 0)>
#map1 = affine_map<(d0, d1) -> (0, 0, 0)>
module attributes {stable_mosaic.version = 14 : i64} {
  func.func @_sc_body(%arg0: i32, %arg1: i32, %arg2: memref<16x32768xf32, #tpu.memory_space<hbm>>, %arg3: memref<16x32768xf32, #tpu.memory_space<hbm>>, %arg4: memref<84x16xi32, #tpu.memory_space<hbm>>, %arg5: memref<84x16xi32, #tpu.memory_space<hbm>>, %arg6: memref<84x16xi32, #tpu.memory_space<hbm>>, %arg7: memref<8x4096xf32, #tpu.memory_space<hbm>>, %arg8: memref<16x1024x4096xf32, #tpu.memory_space<hbm>>, %arg9: memref<32768xf32, #tpu.memory_space<vmem>>, %arg10: memref<84x16xi32, #tpu.memory_space<vmem>>, %arg11: memref<84x16xi32, #tpu.memory_space<vmem>>, %arg12: memref<8x4096xf32, #tpu.memory_space<vmem>>, %arg13: memref<8x4096xf32, #tpu.memory_space<vmem>>, %arg14: memref<!tpu.dma_semaphore, #tpu.memory_space<semaphore_mem>>, %arg15: memref<!tpu.dma_semaphore, #tpu.memory_space<semaphore_mem>>) attributes {dimension_semantics = [#tpu.dimension_semantics<core_parallel>, #tpu.dimension_semantics<subcore_parallel>], iteration_bounds = array<i64: 2, 16>, scalar_prefetch = 0 : i64, scratch_operands = 7 : i64, tpu.core_type = #tpu.core_type<sc_vector_subcore>, window_params = [{transform_indices = #map}, {transform_indices = #map}, {transform_indices = #map}, {transform_indices = #map}, {transform_indices = #map}, {transform_indices = #map}, {transform_indices = #map1}]} {
    %eq3A = arith.constant 0 : i32
    %eq3A_0 = arith.cmpi eq, %arg0, %eq3A : i32
    %convert_element_type3A = arith.extui %eq3A_0 : i1 to i32
    %cond3A = arith.constant 0 : i32
    %cond3A_1 = arith.cmpi ne, %convert_element_type3A, %cond3A : i32
    scf.if %cond3A_1 {
      "tpu.region"() ({
        %run_scoped3A = tpu.sem_alloc : memref<!tpu.dma_semaphore, #tpu.memory_space<semaphore_mem>>
        %dma_start3A_32 = arith.constant 0 : i32
        %dma_start3A_33 = tpu.memref_slice %arg2[%arg1, %dma_start3A_32] : memref<16x32768xf32, #tpu.memory_space<hbm>> -> memref<1x32768xf32, #tpu.memory_space<hbm>>
        %dma_start3A_34 = tpu.memref_squeeze %dma_start3A_33 : memref<1x32768xf32, #tpu.memory_space<hbm>> -> memref<32768xf32, #tpu.memory_space<hbm>>
        %dma_start3A_35 = arith.constant 0 : i32
        %dma_start3A_36 = tpu.memref_slice %arg2[%arg1, %dma_start3A_35] : memref<16x32768xf32, #tpu.memory_space<hbm>> -> memref<1x32768xf32, #tpu.memory_space<hbm>>
        %dma_start3A_37 = tpu.memref_squeeze %dma_start3A_36 : memref<1x32768xf32, #tpu.memory_space<hbm>> -> memref<32768xf32, #tpu.memory_space<hbm>>
        tpu.enqueue_dma source(%dma_start3A_37 : memref<32768xf32, #tpu.memory_space<hbm>>) target(%arg9 : memref<32768xf32, #tpu.memory_space<vmem>>) target_semaphore(%run_scoped3A : memref<!tpu.dma_semaphore, #tpu.memory_space<semaphore_mem>>)
        %dma_wait3A = arith.constant 0 : i32
        %dma_wait3A_38 = tpu.memref_slice %arg2[%arg1, %dma_wait3A] : memref<16x32768xf32, #tpu.memory_space<hbm>> -> memref<1x32768xf32, #tpu.memory_space<hbm>>
        %dma_wait3A_39 = tpu.memref_squeeze %dma_wait3A_38 : memref<1x32768xf32, #tpu.memory_space<hbm>> -> memref<32768xf32, #tpu.memory_space<hbm>>
        %dma_wait3A_40 = arith.constant 0 : i32
        %dma_wait3A_41 = tpu.memref_slice %arg2[%arg1, %dma_wait3A_40] : memref<16x32768xf32, #tpu.memory_space<hbm>> -> memref<1x32768xf32, #tpu.memory_space<hbm>>
        %dma_wait3A_42 = tpu.memref_squeeze %dma_wait3A_41 : memref<1x32768xf32, #tpu.memory_space<hbm>> -> memref<32768xf32, #tpu.memory_space<hbm>>
        tpu.wait_dma2 semaphore(%run_scoped3A : memref<!tpu.dma_semaphore, #tpu.memory_space<semaphore_mem>>) src(%dma_wait3A_42 : memref<32768xf32, #tpu.memory_space<hbm>>) dst(%arg9 : memref<32768xf32, #tpu.memory_space<vmem>>)
        tpu.yield
      }) : () -> ()
      "tpu.region"() ({
        %run_scoped3A = tpu.sem_alloc : memref<!tpu.dma_semaphore, #tpu.memory_space<semaphore_mem>>
        tpu.enqueue_dma source(%arg5 : memref<84x16xi32, #tpu.memory_space<hbm>>) target(%arg10 : memref<84x16xi32, #tpu.memory_space<vmem>>) target_semaphore(%run_scoped3A : memref<!tpu.dma_semaphore, #tpu.memory_space<semaphore_mem>>)
        tpu.wait_dma2 semaphore(%run_scoped3A : memref<!tpu.dma_semaphore, #tpu.memory_space<semaphore_mem>>) src(%arg5 : memref<84x16xi32, #tpu.memory_space<hbm>>) dst(%arg10 : memref<84x16xi32, #tpu.memory_space<vmem>>)
        tpu.yield
      }) : () -> ()
    } else {
    }
    %eq3A_2 = arith.constant 1 : i32
    %eq3A_3 = arith.cmpi eq, %arg0, %eq3A_2 : i32
    %convert_element_type3A_4 = arith.extui %eq3A_3 : i1 to i32
    %cond3A_5 = arith.constant 0 : i32
    %cond3A_6 = arith.cmpi ne, %convert_element_type3A_4, %cond3A_5 : i32
    scf.if %cond3A_6 {
      "tpu.region"() ({
        %run_scoped3A = tpu.sem_alloc : memref<!tpu.dma_semaphore, #tpu.memory_space<semaphore_mem>>
        %dma_start3A_32 = arith.constant 0 : i32
        %dma_start3A_33 = tpu.memref_slice %arg3[%arg1, %dma_start3A_32] : memref<16x32768xf32, #tpu.memory_space<hbm>> -> memref<1x32768xf32, #tpu.memory_space<hbm>>
        %dma_start3A_34 = tpu.memref_squeeze %dma_start3A_33 : memref<1x32768xf32, #tpu.memory_space<hbm>> -> memref<32768xf32, #tpu.memory_space<hbm>>
        %dma_start3A_35 = arith.constant 0 : i32
        %dma_start3A_36 = tpu.memref_slice %arg3[%arg1, %dma_start3A_35] : memref<16x32768xf32, #tpu.memory_space<hbm>> -> memref<1x32768xf32, #tpu.memory_space<hbm>>
        %dma_start3A_37 = tpu.memref_squeeze %dma_start3A_36 : memref<1x32768xf32, #tpu.memory_space<hbm>> -> memref<32768xf32, #tpu.memory_space<hbm>>
        tpu.enqueue_dma source(%dma_start3A_37 : memref<32768xf32, #tpu.memory_space<hbm>>) target(%arg9 : memref<32768xf32, #tpu.memory_space<vmem>>) target_semaphore(%run_scoped3A : memref<!tpu.dma_semaphore, #tpu.memory_space<semaphore_mem>>)
        %dma_wait3A = arith.constant 0 : i32
        %dma_wait3A_38 = tpu.memref_slice %arg3[%arg1, %dma_wait3A] : memref<16x32768xf32, #tpu.memory_space<hbm>> -> memref<1x32768xf32, #tpu.memory_space<hbm>>
        %dma_wait3A_39 = tpu.memref_squeeze %dma_wait3A_38 : memref<1x32768xf32, #tpu.memory_space<hbm>> -> memref<32768xf32, #tpu.memory_space<hbm>>
        %dma_wait3A_40 = arith.constant 0 : i32
        %dma_wait3A_41 = tpu.memref_slice %arg3[%arg1, %dma_wait3A_40] : memref<16x32768xf32, #tpu.memory_space<hbm>> -> memref<1x32768xf32, #tpu.memory_space<hbm>>
        %dma_wait3A_42 = tpu.memref_squeeze %dma_wait3A_41 : memref<1x32768xf32, #tpu.memory_space<hbm>> -> memref<32768xf32, #tpu.memory_space<hbm>>
        tpu.wait_dma2 semaphore(%run_scoped3A : memref<!tpu.dma_semaphore, #tpu.memory_space<semaphore_mem>>) src(%dma_wait3A_42 : memref<32768xf32, #tpu.memory_space<hbm>>) dst(%arg9 : memref<32768xf32, #tpu.memory_space<vmem>>)
        tpu.yield
      }) : () -> ()
      "tpu.region"() ({
        %run_scoped3A = tpu.sem_alloc : memref<!tpu.dma_semaphore, #tpu.memory_space<semaphore_mem>>
        tpu.enqueue_dma source(%arg6 : memref<84x16xi32, #tpu.memory_space<hbm>>) target(%arg10 : memref<84x16xi32, #tpu.memory_space<vmem>>) target_semaphore(%run_scoped3A : memref<!tpu.dma_semaphore, #tpu.memory_space<semaphore_mem>>)
        tpu.wait_dma2 semaphore(%run_scoped3A : memref<!tpu.dma_semaphore, #tpu.memory_space<semaphore_mem>>) src(%arg6 : memref<84x16xi32, #tpu.memory_space<hbm>>) dst(%arg10 : memref<84x16xi32, #tpu.memory_space<vmem>>)
        tpu.yield
      }) : () -> ()
    } else {
    }
    "tpu.region"() ({
      %run_scoped3A = tpu.sem_alloc : memref<!tpu.dma_semaphore, #tpu.memory_space<semaphore_mem>>
      tpu.enqueue_dma source(%arg4 : memref<84x16xi32, #tpu.memory_space<hbm>>) target(%arg11 : memref<84x16xi32, #tpu.memory_space<vmem>>) target_semaphore(%run_scoped3A : memref<!tpu.dma_semaphore, #tpu.memory_space<semaphore_mem>>)
      tpu.wait_dma2 semaphore(%run_scoped3A : memref<!tpu.dma_semaphore, #tpu.memory_space<semaphore_mem>>) src(%arg4 : memref<84x16xi32, #tpu.memory_space<hbm>>) dst(%arg11 : memref<84x16xi32, #tpu.memory_space<vmem>>)
      tpu.yield
    }) : () -> ()
    "tpu.region"() ({
      %run_scoped3A = tpu.sem_alloc : memref<!tpu.dma_semaphore, #tpu.memory_space<semaphore_mem>>
      tpu.enqueue_dma source(%arg7 : memref<8x4096xf32, #tpu.memory_space<hbm>>) target(%arg12 : memref<8x4096xf32, #tpu.memory_space<vmem>>) target_semaphore(%run_scoped3A : memref<!tpu.dma_semaphore, #tpu.memory_space<semaphore_mem>>)
      tpu.wait_dma2 semaphore(%run_scoped3A : memref<!tpu.dma_semaphore, #tpu.memory_space<semaphore_mem>>) src(%arg7 : memref<8x4096xf32, #tpu.memory_space<hbm>>) dst(%arg12 : memref<8x4096xf32, #tpu.memory_space<vmem>>)
      tpu.yield
    }) : () -> ()
    "tpu.region"() ({
      %run_scoped3A = tpu.sem_alloc : memref<!tpu.dma_semaphore, #tpu.memory_space<semaphore_mem>>
      tpu.enqueue_dma source(%arg7 : memref<8x4096xf32, #tpu.memory_space<hbm>>) target(%arg13 : memref<8x4096xf32, #tpu.memory_space<vmem>>) target_semaphore(%run_scoped3A : memref<!tpu.dma_semaphore, #tpu.memory_space<semaphore_mem>>)
      tpu.wait_dma2 semaphore(%run_scoped3A : memref<!tpu.dma_semaphore, #tpu.memory_space<semaphore_mem>>) src(%arg7 : memref<8x4096xf32, #tpu.memory_space<hbm>>) dst(%arg13 : memref<8x4096xf32, #tpu.memory_space<vmem>>)
      tpu.yield
    }) : () -> ()
    %mul3A = arith.constant 512 : i32
    %mul3A_7 = arith.muli %arg0, %mul3A : i32
    %parallel_loop3A = arith.constant 0 : i32
    %parallel_loop3A_8 = arith.constant 84 : i32
    %parallel_loop3A_9 = arith.constant 1 : i32
    scf.for %parallel_loop3A_32 = %parallel_loop3A to %parallel_loop3A_8 step %parallel_loop3A_9  : i32 {
      %parallel_loop3A_33 = arith.index_cast %parallel_loop3A_32 : i32 to index
      %parallel_loop3A_34 = arith.constant 0 : index
      %parallel_loop3A_35 = tpu.vector_load %arg10[%parallel_loop3A_33, %parallel_loop3A_34] {strides = array<i32>} : memref<84x16xi32, #tpu.memory_space<vmem>>, vector<16xi32>,
      %parallel_loop3A_36 = arith.index_cast %parallel_loop3A_32 : i32 to index
      %parallel_loop3A_37 = arith.constant 0 : index
      %parallel_loop3A_38 = tpu.vector_load %arg11[%parallel_loop3A_36, %parallel_loop3A_37] {strides = array<i32>} : memref<84x16xi32, #tpu.memory_space<vmem>>, vector<16xi32>,
      %parallel_loop3A_39 = arith.constant 0 : i32
      %parallel_loop3A_40 = tpu.memref_slice %arg9[%parallel_loop3A_39] : memref<32768xf32, #tpu.memory_space<vmem>> -> memref<64xf32, #tpu.memory_space<vmem>>
      %parallel_loop3A_41 = tpu.vector_load_idx %parallel_loop3A_40[%parallel_loop3A_35] : memref<64xf32, #tpu.memory_space<vmem>>[vector<16xi32>], vector<16xf32>,
      %parallel_loop3A_42 = arith.constant 0 : i32
      %parallel_loop3A_43 = vector.broadcast %parallel_loop3A_42 : i32 to vector<16xi32>
      tpu.vector_store_idx %arg12[%parallel_loop3A_43, %parallel_loop3A_38], %parallel_loop3A_41 : memref<8x4096xf32, #tpu.memory_space<vmem>>[vector<16xi32>, vector<16xi32>], vector<16xf32>,
      %parallel_loop3A_44 = arith.constant 64 : i32
      %parallel_loop3A_45 = tpu.memref_slice %arg9[%parallel_loop3A_44] : memref<32768xf32, #tpu.memory_space<vmem>> -> memref<64xf32, #tpu.memory_space<vmem>>
      %parallel_loop3A_46 = tpu.vector_load_idx %parallel_loop3A_45[%parallel_loop3A_35] : memref<64xf32, #tpu.memory_space<vmem>>[vector<16xi32>], vector<16xf32>,
      %parallel_loop3A_47 = arith.constant 1 : i32
      %parallel_loop3A_48 = vector.broadcast %parallel_loop3A_47 : i32 to vector<16xi32>
      tpu.vector_store_idx %arg12[%parallel_loop3A_48, %parallel_loop3A_38], %parallel_loop3A_46 : memref<8x4096xf32, #tpu.memory_space<vmem>>[vector<16xi32>, vector<16xi32>], vector<16xf32>,
      %parallel_loop3A_49 = arith.constant 128 : i32
      %parallel_loop3A_50 = tpu.memref_slice %arg9[%parallel_loop3A_49] : memref<32768xf32, #tpu.memory_space<vmem>> -> memref<64xf32, #tpu.memory_space<vmem>>
      %parallel_loop3A_51 = tpu.vector_load_idx %parallel_loop3A_50[%parallel_loop3A_35] : memref<64xf32, #tpu.memory_space<vmem>>[vector<16xi32>], vector<16xf32>,
      %parallel_loop3A_52 = arith.constant 2 : i32
      %parallel_loop3A_53 = vector.broadcast %parallel_loop3A_52 : i32 to vector<16xi32>
      tpu.vector_store_idx %arg12[%parallel_loop3A_53, %parallel_loop3A_38], %parallel_loop3A_51 : memref<8x4096xf32, #tpu.memory_space<vmem>>[vector<16xi32>, vector<16xi32>], vector<16xf32>,
      %parallel_loop3A_54 = arith.constant 192 : i32
      %parallel_loop3A_55 = tpu.memref_slice %arg9[%parallel_loop3A_54] : memref<32768xf32, #tpu.memory_space<vmem>> -> memref<64xf32, #tpu.memory_space<vmem>>
      %parallel_loop3A_56 = tpu.vector_load_idx %parallel_loop3A_55[%parallel_loop3A_35] : memref<64xf32, #tpu.memory_space<vmem>>[vector<16xi32>], vector<16xf32>,
      %parallel_loop3A_57 = arith.constant 3 : i32
      %parallel_loop3A_58 = vector.broadcast %parallel_loop3A_57 : i32 to vector<16xi32>
      tpu.vector_store_idx %arg12[%parallel_loop3A_58, %parallel_loop3A_38], %parallel_loop3A_56 : memref<8x4096xf32, #tpu.memory_space<vmem>>[vector<16xi32>, vector<16xi32>], vector<16xf32>,
      %parallel_loop3A_59 = arith.constant 256 : i32
      %parallel_loop3A_60 = tpu.memref_slice %arg9[%parallel_loop3A_59] : memref<32768xf32, #tpu.memory_space<vmem>> -> memref<64xf32, #tpu.memory_space<vmem>>
      %parallel_loop3A_61 = tpu.vector_load_idx %parallel_loop3A_60[%parallel_loop3A_35] : memref<64xf32, #tpu.memory_space<vmem>>[vector<16xi32>], vector<16xf32>,
      %parallel_loop3A_62 = arith.constant 4 : i32
      %parallel_loop3A_63 = vector.broadcast %parallel_loop3A_62 : i32 to vector<16xi32>
      tpu.vector_store_idx %arg12[%parallel_loop3A_63, %parallel_loop3A_38], %parallel_loop3A_61 : memref<8x4096xf32, #tpu.memory_space<vmem>>[vector<16xi32>, vector<16xi32>], vector<16xf32>,
      %parallel_loop3A_64 = arith.constant 320 : i32
      %parallel_loop3A_65 = tpu.memref_slice %arg9[%parallel_loop3A_64] : memref<32768xf32, #tpu.memory_space<vmem>> -> memref<64xf32, #tpu.memory_space<vmem>>
      %parallel_loop3A_66 = tpu.vector_load_idx %parallel_loop3A_65[%parallel_loop3A_35] : memref<64xf32, #tpu.memory_space<vmem>>[vector<16xi32>], vector<16xf32>,
      %parallel_loop3A_67 = arith.constant 5 : i32
      %parallel_loop3A_68 = vector.broadcast %parallel_loop3A_67 : i32 to vector<16xi32>
      tpu.vector_store_idx %arg12[%parallel_loop3A_68, %parallel_loop3A_38], %parallel_loop3A_66 : memref<8x4096xf32, #tpu.memory_space<vmem>>[vector<16xi32>, vector<16xi32>], vector<16xf32>,
      %parallel_loop3A_69 = arith.constant 384 : i32
      %parallel_loop3A_70 = tpu.memref_slice %arg9[%parallel_loop3A_69] : memref<32768xf32, #tpu.memory_space<vmem>> -> memref<64xf32, #tpu.memory_space<vmem>>
      %parallel_loop3A_71 = tpu.vector_load_idx %parallel_loop3A_70[%parallel_loop3A_35] : memref<64xf32, #tpu.memory_space<vmem>>[vector<16xi32>], vector<16xf32>,
      %parallel_loop3A_72 = arith.constant 6 : i32
      %parallel_loop3A_73 = vector.broadcast %parallel_loop3A_72 : i32 to vector<16xi32>
      tpu.vector_store_idx %arg12[%parallel_loop3A_73, %parallel_loop3A_38], %parallel_loop3A_71 : memref<8x4096xf32, #tpu.memory_space<vmem>>[vector<16xi32>, vector<16xi32>], vector<16xf32>,
      %parallel_loop3A_74 = arith.constant 448 : i32
      %parallel_loop3A_75 = tpu.memref_slice %arg9[%parallel_loop3A_74] : memref<32768xf32, #tpu.memory_space<vmem>> -> memref<64xf32, #tpu.memory_space<vmem>>
      %parallel_loop3A_76 = tpu.vector_load_idx %parallel_loop3A_75[%parallel_loop3A_35] : memref<64xf32, #tpu.memory_space<vmem>>[vector<16xi32>], vector<16xf32>,
      %parallel_loop3A_77 = arith.constant 7 : i32
      %parallel_loop3A_78 = vector.broadcast %parallel_loop3A_77 : i32 to vector<16xi32>
      tpu.vector_store_idx %arg12[%parallel_loop3A_78, %parallel_loop3A_38], %parallel_loop3A_76 : memref<8x4096xf32, #tpu.memory_space<vmem>>[vector<16xi32>, vector<16xi32>], vector<16xf32>,
    } {sc.loop_unroll_factor = 4 : i64, sc.parallel_access}
    %add3A = arith.constant 0 : i32
    %add3A_10 = arith.addi %mul3A_7, %add3A : i32
    %dma_start3A = arith.constant 0 : i32
    %dma_start3A_11 = tpu.memref_slice %arg8[%arg1, %add3A_10, %dma_start3A] : memref<16x1024x4096xf32, #tpu.memory_space<hbm>> -> memref<1x8x4096xf32, #tpu.memory_space<hbm>>
    %dma_start3A_12 = tpu.memref_squeeze %dma_start3A_11 : memref<1x8x4096xf32, #tpu.memory_space<hbm>> -> memref<8x4096xf32, #tpu.memory_space<hbm>>
    %dma_start3A_13 = arith.constant 0 : i32
    %dma_start3A_14 = tpu.memref_slice %arg8[%arg1, %add3A_10, %dma_start3A_13] : memref<16x1024x4096xf32, #tpu.memory_space<hbm>> -> memref<1x8x4096xf32, #tpu.memory_space<hbm>>
    %dma_start3A_15 = tpu.memref_squeeze %dma_start3A_14 : memref<1x8x4096xf32, #tpu.memory_space<hbm>> -> memref<8x4096xf32, #tpu.memory_space<hbm>>
    tpu.enqueue_dma source(%arg12 : memref<8x4096xf32, #tpu.memory_space<vmem>>) target(%dma_start3A_15 : memref<8x4096xf32, #tpu.memory_space<hbm>>) target_semaphore(%arg14 : memref<!tpu.dma_semaphore, #tpu.memory_space<semaphore_mem>>)
    %parallel_loop3A_16 = arith.constant 0 : i32
    %parallel_loop3A_17 = arith.constant 84 : i32
    %parallel_loop3A_18 = arith.constant 1 : i32
    scf.for %parallel_loop3A_32 = %parallel_loop3A_16 to %parallel_loop3A_17 step %parallel_loop3A_18  : i32 {
      %parallel_loop3A_33 = arith.index_cast %parallel_loop3A_32 : i32 to index
      %parallel_loop3A_34 = arith.constant 0 : index
      %parallel_loop3A_35 = tpu.vector_load %arg10[%parallel_loop3A_33, %parallel_loop3A_34] {strides = array<i32>} : memref<84x16xi32, #tpu.memory_space<vmem>>, vector<16xi32>,
      %parallel_loop3A_36 = arith.index_cast %parallel_loop3A_32 : i32 to index
      %parallel_loop3A_37 = arith.constant 0 : index
      %parallel_loop3A_38 = tpu.vector_load %arg11[%parallel_loop3A_36, %parallel_loop3A_37] {strides = array<i32>} : memref<84x16xi32, #tpu.memory_space<vmem>>, vector<16xi32>,
      %parallel_loop3A_39 = arith.constant 512 : i32
      %parallel_loop3A_40 = tpu.memref_slice %arg9[%parallel_loop3A_39] : memref<32768xf32, #tpu.memory_space<vmem>> -> memref<64xf32, #tpu.memory_space<vmem>>
      %parallel_loop3A_41 = tpu.vector_load_idx %parallel_loop3A_40[%parallel_loop3A_35] : memref<64xf32, #tpu.memory_space<vmem>>[vector<16xi32>], vector<16xf32>,
      %parallel_loop3A_42 = arith.constant 0 : i32
      %parallel_loop3A_43 = vector.broadcast %parallel_loop3A_42 : i32 to vector<16xi32>
      tpu.vector_store_idx %arg13[%parallel_loop3A_43, %parallel_loop3A_38], %parallel_loop3A_41 : memref<8x4096xf32, #tpu.memory_space<vmem>>[vector<16xi32>, vector<16xi32>], vector<16xf32>,
      %parallel_loop3A_44 = arith.constant 576 : i32
      %parallel_loop3A_45 = tpu.memref_slice %arg9[%parallel_loop3A_44] : memref<32768xf32, #tpu.memory_space<vmem>> -> memref<64xf32, #tpu.memory_space<vmem>>
      %parallel_loop3A_46 = tpu.vector_load_idx %parallel_loop3A_45[%parallel_loop3A_35] : memref<64xf32, #tpu.memory_space<vmem>>[vector<16xi32>], vector<16xf32>,
      %parallel_loop3A_47 = arith.constant 1 : i32
      %parallel_loop3A_48 = vector.broadcast %parallel_loop3A_47 : i32 to vector<16xi32>
      tpu.vector_store_idx %arg13[%parallel_loop3A_48, %parallel_loop3A_38], %parallel_loop3A_46 : memref<8x4096xf32, #tpu.memory_space<vmem>>[vector<16xi32>, vector<16xi32>], vector<16xf32>,
      %parallel_loop3A_49 = arith.constant 640 : i32
      %parallel_loop3A_50 = tpu.memref_slice %arg9[%parallel_loop3A_49] : memref<32768xf32, #tpu.memory_space<vmem>> -> memref<64xf32, #tpu.memory_space<vmem>>
      %parallel_loop3A_51 = tpu.vector_load_idx %parallel_loop3A_50[%parallel_loop3A_35] : memref<64xf32, #tpu.memory_space<vmem>>[vector<16xi32>], vector<16xf32>,
      %parallel_loop3A_52 = arith.constant 2 : i32
      %parallel_loop3A_53 = vector.broadcast %parallel_loop3A_52 : i32 to vector<16xi32>
      tpu.vector_store_idx %arg13[%parallel_loop3A_53, %parallel_loop3A_38], %parallel_loop3A_51 : memref<8x4096xf32, #tpu.memory_space<vmem>>[vector<16xi32>, vector<16xi32>], vector<16xf32>,
      %parallel_loop3A_54 = arith.constant 704 : i32
      %parallel_loop3A_55 = tpu.memref_slice %arg9[%parallel_loop3A_54] : memref<32768xf32, #tpu.memory_space<vmem>> -> memref<64xf32, #tpu.memory_space<vmem>>
      %parallel_loop3A_56 = tpu.vector_load_idx %parallel_loop3A_55[%parallel_loop3A_35] : memref<64xf32, #tpu.memory_space<vmem>>[vector<16xi32>], vector<16xf32>,
      %parallel_loop3A_57 = arith.constant 3 : i32
      %parallel_loop3A_58 = vector.broadcast %parallel_loop3A_57 : i32 to vector<16xi32>
      tpu.vector_store_idx %arg13[%parallel_loop3A_58, %parallel_loop3A_38], %parallel_loop3A_56 : memref<8x4096xf32, #tpu.memory_space<vmem>>[vector<16xi32>, vector<16xi32>], vector<16xf32>,
      %parallel_loop3A_59 = arith.constant 768 : i32
      %parallel_loop3A_60 = tpu.memref_slice %arg9[%parallel_loop3A_59] : memref<32768xf32, #tpu.memory_space<vmem>> -> memref<64xf32, #tpu.memory_space<vmem>>
      %parallel_loop3A_61 = tpu.vector_load_idx %parallel_loop3A_60[%parallel_loop3A_35] : memref<64xf32, #tpu.memory_space<vmem>>[vector<16xi32>], vector<16xf32>,
      %parallel_loop3A_62 = arith.constant 4 : i32
      %parallel_loop3A_63 = vector.broadcast %parallel_loop3A_62 : i32 to vector<16xi32>
      tpu.vector_store_idx %arg13[%parallel_loop3A_63, %parallel_loop3A_38], %parallel_loop3A_61 : memref<8x4096xf32, #tpu.memory_space<vmem>>[vector<16xi32>, vector<16xi32>], vector<16xf32>,
      %parallel_loop3A_64 = arith.constant 832 : i32
      %parallel_loop3A_65 = tpu.memref_slice %arg9[%parallel_loop3A_64] : memref<32768xf32, #tpu.memory_space<vmem>> -> memref<64xf32, #tpu.memory_space<vmem>>
      %parallel_loop3A_66 = tpu.vector_load_idx %parallel_loop3A_65[%parallel_loop3A_35] : memref<64xf32, #tpu.memory_space<vmem>>[vector<16xi32>], vector<16xf32>,
      %parallel_loop3A_67 = arith.constant 5 : i32
      %parallel_loop3A_68 = vector.broadcast %parallel_loop3A_67 : i32 to vector<16xi32>
      tpu.vector_store_idx %arg13[%parallel_loop3A_68, %parallel_loop3A_38], %parallel_loop3A_66 : memref<8x4096xf32, #tpu.memory_space<vmem>>[vector<16xi32>, vector<16xi32>], vector<16xf32>,
      %parallel_loop3A_69 = arith.constant 896 : i32
      %parallel_loop3A_70 = tpu.memref_slice %arg9[%parallel_loop3A_69] : memref<32768xf32, #tpu.memory_space<vmem>> -> memref<64xf32, #tpu.memory_space<vmem>>
      %parallel_loop3A_71 = tpu.vector_load_idx %parallel_loop3A_70[%parallel_loop3A_35] : memref<64xf32, #tpu.memory_space<vmem>>[vector<16xi32>], vector<16xf32>,
      %parallel_loop3A_72 = arith.constant 6 : i32
      %parallel_loop3A_73 = vector.broadcast %parallel_loop3A_72 : i32 to vector<16xi32>
      tpu.vector_store_idx %arg13[%parallel_loop3A_73, %parallel_loop3A_38], %parallel_loop3A_71 : memref<8x4096xf32, #tpu.memory_space<vmem>>[vector<16xi32>, vector<16xi32>], vector<16xf32>,
      %parallel_loop3A_74 = arith.constant 960 : i32
      %parallel_loop3A_75 = tpu.memref_slice %arg9[%parallel_loop3A_74] : memref<32768xf32, #tpu.memory_space<vmem>> -> memref<64xf32, #tpu.memory_space<vmem>>
      %parallel_loop3A_76 = tpu.vector_load_idx %parallel_loop3A_75[%parallel_loop3A_35] : memref<64xf32, #tpu.memory_space<vmem>>[vector<16xi32>], vector<16xf32>,
      %parallel_loop3A_77 = arith.constant 7 : i32
      %parallel_loop3A_78 = vector.broadcast %parallel_loop3A_77 : i32 to vector<16xi32>
      tpu.vector_store_idx %arg13[%parallel_loop3A_78, %parallel_loop3A_38], %parallel_loop3A_76 : memref<8x4096xf32, #tpu.memory_space<vmem>>[vector<16xi32>, vector<16xi32>], vector<16xf32>,
    } {sc.loop_unroll_factor = 4 : i64, sc.parallel_access}
    %add3A_19 = arith.constant 8 : i32
    %add3A_20 = arith.addi %mul3A_7, %add3A_19 : i32
    %dma_start3A_21 = arith.constant 0 : i32
    %dma_start3A_22 = tpu.memref_slice %arg8[%arg1, %add3A_20, %dma_start3A_21] : memref<16x1024x4096xf32, #tpu.memory_space<hbm>> -> memref<1x8x4096xf32, #tpu.memory_space<hbm>>
    %dma_start3A_23 = tpu.memref_squeeze %dma_start3A_22 : memref<1x8x4096xf32, #tpu.memory_space<hbm>> -> memref<8x4096xf32, #tpu.memory_space<hbm>>
    %dma_start3A_24 = arith.constant 0 : i32
    %dma_start3A_25 = tpu.memref_slice %arg8[%arg1, %add3A_20, %dma_start3A_24] : memref<16x1024x4096xf32, #tpu.memory_space<hbm>> -> memref<1x8x4096xf32, #tpu.memory_space<hbm>>
    %dma_start3A_26 = tpu.memref_squeeze %dma_start3A_25 : memref<1x8x4096xf32, #tpu.memory_space<hbm>> -> memref<8x4096xf32, #tpu.memory_space<hbm>>
    tpu.enqueue_dma source(%arg13 : memref<8x4096xf32, #tpu.memory_space<vmem>>) target(%dma_start3A_26 : memref<8x4096xf32, #tpu.memory_space<hbm>>) target_semaphore(%arg15 : memref<!tpu.dma_semaphore, #tpu.memory_space<semaphore_mem>>)
    %scan3A = arith.constant 0 : i32
    %scan3A_27 = arith.constant 1 : i32
    %scan3A_28 = arith.constant 31 : i32
    %scan3A_29 = arith.addi %scan3A_27, %scan3A_28 : i32
    %scan3A_30 = arith.constant 1 : i32
    scf.for %scan3A_32 = %scan3A_27 to %scan3A_29 step %scan3A_30  : i32 {
      tpu.wait_dma2 semaphore(%arg14 : memref<!tpu.dma_semaphore, #tpu.memory_space<semaphore_mem>>) src(%arg7 : memref<8x4096xf32, #tpu.memory_space<hbm>>) dst(%arg12 : memref<8x4096xf32, #tpu.memory_space<vmem>>)
      %mul3A_33 = arith.constant 2 : i32
      %mul3A_34 = arith.muli %mul3A_33, %scan3A_32 : i32
      %mul3A_35 = arith.constant 8 : i32
      %mul3A_36 = arith.muli %mul3A_34, %mul3A_35 : i32
      %parallel_loop3A_37 = arith.constant 0 : i32
      %parallel_loop3A_38 = arith.constant 84 : i32
      %parallel_loop3A_39 = arith.constant 1 : i32
      scf.for %parallel_loop3A_67 = %parallel_loop3A_37 to %parallel_loop3A_38 step %parallel_loop3A_39  : i32 {
        %parallel_loop3A_68 = arith.index_cast %parallel_loop3A_67 : i32 to index
        %parallel_loop3A_69 = arith.constant 0 : index
        %parallel_loop3A_70 = tpu.vector_load %arg10[%parallel_loop3A_68, %parallel_loop3A_69] {strides = array<i32>} : memref<84x16xi32, #tpu.memory_space<vmem>>, vector<16xi32>,
        %parallel_loop3A_71 = arith.index_cast %parallel_loop3A_67 : i32 to index
        %parallel_loop3A_72 = arith.constant 0 : index
        %parallel_loop3A_73 = tpu.vector_load %arg11[%parallel_loop3A_71, %parallel_loop3A_72] {strides = array<i32>} : memref<84x16xi32, #tpu.memory_space<vmem>>, vector<16xi32>,
        %parallel_loop3A_74 = arith.constant 0 : i32
        %parallel_loop3A_75 = arith.addi %mul3A_36, %parallel_loop3A_74 : i32
        %parallel_loop3A_76 = arith.constant 64 : i32
        %parallel_loop3A_77 = arith.muli %parallel_loop3A_75, %parallel_loop3A_76 : i32
        %parallel_loop3A_78 = tpu.memref_slice %arg9[%parallel_loop3A_77] : memref<32768xf32, #tpu.memory_space<vmem>> -> memref<64xf32, #tpu.memory_space<vmem>>
        %parallel_loop3A_79 = tpu.vector_load_idx %parallel_loop3A_78[%parallel_loop3A_70] : memref<64xf32, #tpu.memory_space<vmem>>[vector<16xi32>], vector<16xf32>,
        %parallel_loop3A_80 = arith.constant 0 : i32
        %parallel_loop3A_81 = vector.broadcast %parallel_loop3A_80 : i32 to vector<16xi32>
        tpu.vector_store_idx %arg12[%parallel_loop3A_81, %parallel_loop3A_73], %parallel_loop3A_79 : memref<8x4096xf32, #tpu.memory_space<vmem>>[vector<16xi32>, vector<16xi32>], vector<16xf32>,
        %parallel_loop3A_82 = arith.constant 1 : i32
        %parallel_loop3A_83 = arith.addi %mul3A_36, %parallel_loop3A_82 : i32
        %parallel_loop3A_84 = arith.constant 64 : i32
        %parallel_loop3A_85 = arith.muli %parallel_loop3A_83, %parallel_loop3A_84 : i32
        %parallel_loop3A_86 = tpu.memref_slice %arg9[%parallel_loop3A_85] : memref<32768xf32, #tpu.memory_space<vmem>> -> memref<64xf32, #tpu.memory_space<vmem>>
        %parallel_loop3A_87 = tpu.vector_load_idx %parallel_loop3A_86[%parallel_loop3A_70] : memref<64xf32, #tpu.memory_space<vmem>>[vector<16xi32>], vector<16xf32>,
        %parallel_loop3A_88 = arith.constant 1 : i32
        %parallel_loop3A_89 = vector.broadcast %parallel_loop3A_88 : i32 to vector<16xi32>
        tpu.vector_store_idx %arg12[%parallel_loop3A_89, %parallel_loop3A_73], %parallel_loop3A_87 : memref<8x4096xf32, #tpu.memory_space<vmem>>[vector<16xi32>, vector<16xi32>], vector<16xf32>,
        %parallel_loop3A_90 = arith.constant 2 : i32
        %parallel_loop3A_91 = arith.addi %mul3A_36, %parallel_loop3A_90 : i32
        %parallel_loop3A_92 = arith.constant 64 : i32
        %parallel_loop3A_93 = arith.muli %parallel_loop3A_91, %parallel_loop3A_92 : i32
        %parallel_loop3A_94 = tpu.memref_slice %arg9[%parallel_loop3A_93] : memref<32768xf32, #tpu.memory_space<vmem>> -> memref<64xf32, #tpu.memory_space<vmem>>
        %parallel_loop3A_95 = tpu.vector_load_idx %parallel_loop3A_94[%parallel_loop3A_70] : memref<64xf32, #tpu.memory_space<vmem>>[vector<16xi32>], vector<16xf32>,
        %parallel_loop3A_96 = arith.constant 2 : i32
        %parallel_loop3A_97 = vector.broadcast %parallel_loop3A_96 : i32 to vector<16xi32>
        tpu.vector_store_idx %arg12[%parallel_loop3A_97, %parallel_loop3A_73], %parallel_loop3A_95 : memref<8x4096xf32, #tpu.memory_space<vmem>>[vector<16xi32>, vector<16xi32>], vector<16xf32>,
        %parallel_loop3A_98 = arith.constant 3 : i32
        %parallel_loop3A_99 = arith.addi %mul3A_36, %parallel_loop3A_98 : i32
        %parallel_loop3A_100 = arith.constant 64 : i32
        %parallel_loop3A_101 = arith.muli %parallel_loop3A_99, %parallel_loop3A_100 : i32
        %parallel_loop3A_102 = tpu.memref_slice %arg9[%parallel_loop3A_101] : memref<32768xf32, #tpu.memory_space<vmem>> -> memref<64xf32, #tpu.memory_space<vmem>>
        %parallel_loop3A_103 = tpu.vector_load_idx %parallel_loop3A_102[%parallel_loop3A_70] : memref<64xf32, #tpu.memory_space<vmem>>[vector<16xi32>], vector<16xf32>,
        %parallel_loop3A_104 = arith.constant 3 : i32
        %parallel_loop3A_105 = vector.broadcast %parallel_loop3A_104 : i32 to vector<16xi32>
        tpu.vector_store_idx %arg12[%parallel_loop3A_105, %parallel_loop3A_73], %parallel_loop3A_103 : memref<8x4096xf32, #tpu.memory_space<vmem>>[vector<16xi32>, vector<16xi32>], vector<16xf32>,
        %parallel_loop3A_106 = arith.constant 4 : i32
        %parallel_loop3A_107 = arith.addi %mul3A_36, %parallel_loop3A_106 : i32
        %parallel_loop3A_108 = arith.constant 64 : i32
        %parallel_loop3A_109 = arith.muli %parallel_loop3A_107, %parallel_loop3A_108 : i32
        %parallel_loop3A_110 = tpu.memref_slice %arg9[%parallel_loop3A_109] : memref<32768xf32, #tpu.memory_space<vmem>> -> memref<64xf32, #tpu.memory_space<vmem>>
        %parallel_loop3A_111 = tpu.vector_load_idx %parallel_loop3A_110[%parallel_loop3A_70] : memref<64xf32, #tpu.memory_space<vmem>>[vector<16xi32>], vector<16xf32>,
        %parallel_loop3A_112 = arith.constant 4 : i32
        %parallel_loop3A_113 = vector.broadcast %parallel_loop3A_112 : i32 to vector<16xi32>
        tpu.vector_store_idx %arg12[%parallel_loop3A_113, %parallel_loop3A_73], %parallel_loop3A_111 : memref<8x4096xf32, #tpu.memory_space<vmem>>[vector<16xi32>, vector<16xi32>], vector<16xf32>,
        %parallel_loop3A_114 = arith.constant 5 : i32
        %parallel_loop3A_115 = arith.addi %mul3A_36, %parallel_loop3A_114 : i32
        %parallel_loop3A_116 = arith.constant 64 : i32
        %parallel_loop3A_117 = arith.muli %parallel_loop3A_115, %parallel_loop3A_116 : i32
        %parallel_loop3A_118 = tpu.memref_slice %arg9[%parallel_loop3A_117] : memref<32768xf32, #tpu.memory_space<vmem>> -> memref<64xf32, #tpu.memory_space<vmem>>
        %parallel_loop3A_119 = tpu.vector_load_idx %parallel_loop3A_118[%parallel_loop3A_70] : memref<64xf32, #tpu.memory_space<vmem>>[vector<16xi32>], vector<16xf32>,
        %parallel_loop3A_120 = arith.constant 5 : i32
        %parallel_loop3A_121 = vector.broadcast %parallel_loop3A_120 : i32 to vector<16xi32>
        tpu.vector_store_idx %arg12[%parallel_loop3A_121, %parallel_loop3A_73], %parallel_loop3A_119 : memref<8x4096xf32, #tpu.memory_space<vmem>>[vector<16xi32>, vector<16xi32>], vector<16xf32>,
        %parallel_loop3A_122 = arith.constant 6 : i32
        %parallel_loop3A_123 = arith.addi %mul3A_36, %parallel_loop3A_122 : i32
        %parallel_loop3A_124 = arith.constant 64 : i32
        %parallel_loop3A_125 = arith.muli %parallel_loop3A_123, %parallel_loop3A_124 : i32
        %parallel_loop3A_126 = tpu.memref_slice %arg9[%parallel_loop3A_125] : memref<32768xf32, #tpu.memory_space<vmem>> -> memref<64xf32, #tpu.memory_space<vmem>>
        %parallel_loop3A_127 = tpu.vector_load_idx %parallel_loop3A_126[%parallel_loop3A_70] : memref<64xf32, #tpu.memory_space<vmem>>[vector<16xi32>], vector<16xf32>,
        %parallel_loop3A_128 = arith.constant 6 : i32
        %parallel_loop3A_129 = vector.broadcast %parallel_loop3A_128 : i32 to vector<16xi32>
        tpu.vector_store_idx %arg12[%parallel_loop3A_129, %parallel_loop3A_73], %parallel_loop3A_127 : memref<8x4096xf32, #tpu.memory_space<vmem>>[vector<16xi32>, vector<16xi32>], vector<16xf32>,
        %parallel_loop3A_130 = arith.constant 7 : i32
        %parallel_loop3A_131 = arith.addi %mul3A_36, %parallel_loop3A_130 : i32
        %parallel_loop3A_132 = arith.constant 64 : i32
        %parallel_loop3A_133 = arith.muli %parallel_loop3A_131, %parallel_loop3A_132 : i32
        %parallel_loop3A_134 = tpu.memref_slice %arg9[%parallel_loop3A_133] : memref<32768xf32, #tpu.memory_space<vmem>> -> memref<64xf32, #tpu.memory_space<vmem>>
        %parallel_loop3A_135 = tpu.vector_load_idx %parallel_loop3A_134[%parallel_loop3A_70] : memref<64xf32, #tpu.memory_space<vmem>>[vector<16xi32>], vector<16xf32>,
        %parallel_loop3A_136 = arith.constant 7 : i32
        %parallel_loop3A_137 = vector.broadcast %parallel_loop3A_136 : i32 to vector<16xi32>
        tpu.vector_store_idx %arg12[%parallel_loop3A_137, %parallel_loop3A_73], %parallel_loop3A_135 : memref<8x4096xf32, #tpu.memory_space<vmem>>[vector<16xi32>, vector<16xi32>], vector<16xf32>,
      } {sc.loop_unroll_factor = 4 : i64, sc.parallel_access}
      %mul3A_40 = arith.constant 8 : i32
      %mul3A_41 = arith.muli %mul3A_34, %mul3A_40 : i32
      %add3A_42 = arith.addi %mul3A_7, %mul3A_41 : i32
      %dma_start3A_43 = arith.constant 0 : i32
      %dma_start3A_44 = tpu.memref_slice %arg8[%arg1, %add3A_42, %dma_start3A_43] : memref<16x1024x4096xf32, #tpu.memory_space<hbm>> -> memref<1x8x4096xf32, #tpu.memory_space<hbm>>
      %dma_start3A_45 = tpu.memref_squeeze %dma_start3A_44 : memref<1x8x4096xf32, #tpu.memory_space<hbm>> -> memref<8x4096xf32, #tpu.memory_space<hbm>>
      %dma_start3A_46 = arith.constant 0 : i32
      %dma_start3A_47 = tpu.memref_slice %arg8[%arg1, %add3A_42, %dma_start3A_46] : memref<16x1024x4096xf32, #tpu.memory_space<hbm>> -> memref<1x8x4096xf32, #tpu.memory_space<hbm>>
      %dma_start3A_48 = tpu.memref_squeeze %dma_start3A_47 : memref<1x8x4096xf32, #tpu.memory_space<hbm>> -> memref<8x4096xf32, #tpu.memory_space<hbm>>
      tpu.enqueue_dma source(%arg12 : memref<8x4096xf32, #tpu.memory_space<vmem>>) target(%dma_start3A_48 : memref<8x4096xf32, #tpu.memory_space<hbm>>) target_semaphore(%arg14 : memref<!tpu.dma_semaphore, #tpu.memory_space<semaphore_mem>>)
      tpu.wait_dma2 semaphore(%arg15 : memref<!tpu.dma_semaphore, #tpu.memory_space<semaphore_mem>>) src(%arg7 : memref<8x4096xf32, #tpu.memory_space<hbm>>) dst(%arg13 : memref<8x4096xf32, #tpu.memory_space<vmem>>)
      %mul3A_49 = arith.constant 2 : i32
      %mul3A_50 = arith.muli %mul3A_49, %scan3A_32 : i32
      %add3A_51 = arith.constant 1 : i32
      %add3A_52 = arith.addi %mul3A_50, %add3A_51 : i32
      %mul3A_53 = arith.constant 8 : i32
      %mul3A_54 = arith.muli %add3A_52, %mul3A_53 : i32
      %parallel_loop3A_55 = arith.constant 0 : i32
      %parallel_loop3A_56 = arith.constant 84 : i32
      %parallel_loop3A_57 = arith.constant 1 : i32
      scf.for %parallel_loop3A_67 = %parallel_loop3A_55 to %parallel_loop3A_56 step %parallel_loop3A_57  : i32 {
        %parallel_loop3A_68 = arith.index_cast %parallel_loop3A_67 : i32 to index
        %parallel_loop3A_69 = arith.constant 0 : index
        %parallel_loop3A_70 = tpu.vector_load %arg10[%parallel_loop3A_68, %parallel_loop3A_69] {strides = array<i32>} : memref<84x16xi32, #tpu.memory_space<vmem>>, vector<16xi32>,
        %parallel_loop3A_71 = arith.index_cast %parallel_loop3A_67 : i32 to index
        %parallel_loop3A_72 = arith.constant 0 : index
        %parallel_loop3A_73 = tpu.vector_load %arg11[%parallel_loop3A_71, %parallel_loop3A_72] {strides = array<i32>} : memref<84x16xi32, #tpu.memory_space<vmem>>, vector<16xi32>,
        %parallel_loop3A_74 = arith.constant 0 : i32
        %parallel_loop3A_75 = arith.addi %mul3A_54, %parallel_loop3A_74 : i32
        %parallel_loop3A_76 = arith.constant 64 : i32
        %parallel_loop3A_77 = arith.muli %parallel_loop3A_75, %parallel_loop3A_76 : i32
        %parallel_loop3A_78 = tpu.memref_slice %arg9[%parallel_loop3A_77] : memref<32768xf32, #tpu.memory_space<vmem>> -> memref<64xf32, #tpu.memory_space<vmem>>
        %parallel_loop3A_79 = tpu.vector_load_idx %parallel_loop3A_78[%parallel_loop3A_70] : memref<64xf32, #tpu.memory_space<vmem>>[vector<16xi32>], vector<16xf32>,
        %parallel_loop3A_80 = arith.constant 0 : i32
        %parallel_loop3A_81 = vector.broadcast %parallel_loop3A_80 : i32 to vector<16xi32>
        tpu.vector_store_idx %arg13[%parallel_loop3A_81, %parallel_loop3A_73], %parallel_loop3A_79 : memref<8x4096xf32, #tpu.memory_space<vmem>>[vector<16xi32>, vector<16xi32>], vector<16xf32>,
        %parallel_loop3A_82 = arith.constant 1 : i32
        %parallel_loop3A_83 = arith.addi %mul3A_54, %parallel_loop3A_82 : i32
        %parallel_loop3A_84 = arith.constant 64 : i32
        %parallel_loop3A_85 = arith.muli %parallel_loop3A_83, %parallel_loop3A_84 : i32
        %parallel_loop3A_86 = tpu.memref_slice %arg9[%parallel_loop3A_85] : memref<32768xf32, #tpu.memory_space<vmem>> -> memref<64xf32, #tpu.memory_space<vmem>>
        %parallel_loop3A_87 = tpu.vector_load_idx %parallel_loop3A_86[%parallel_loop3A_70] : memref<64xf32, #tpu.memory_space<vmem>>[vector<16xi32>], vector<16xf32>,
        %parallel_loop3A_88 = arith.constant 1 : i32
        %parallel_loop3A_89 = vector.broadcast %parallel_loop3A_88 : i32 to vector<16xi32>
        tpu.vector_store_idx %arg13[%parallel_loop3A_89, %parallel_loop3A_73], %parallel_loop3A_87 : memref<8x4096xf32, #tpu.memory_space<vmem>>[vector<16xi32>, vector<16xi32>], vector<16xf32>,
        %parallel_loop3A_90 = arith.constant 2 : i32
        %parallel_loop3A_91 = arith.addi %mul3A_54, %parallel_loop3A_90 : i32
        %parallel_loop3A_92 = arith.constant 64 : i32
        %parallel_loop3A_93 = arith.muli %parallel_loop3A_91, %parallel_loop3A_92 : i32
        %parallel_loop3A_94 = tpu.memref_slice %arg9[%parallel_loop3A_93] : memref<32768xf32, #tpu.memory_space<vmem>> -> memref<64xf32, #tpu.memory_space<vmem>>
        %parallel_loop3A_95 = tpu.vector_load_idx %parallel_loop3A_94[%parallel_loop3A_70] : memref<64xf32, #tpu.memory_space<vmem>>[vector<16xi32>], vector<16xf32>,
        %parallel_loop3A_96 = arith.constant 2 : i32
        %parallel_loop3A_97 = vector.broadcast %parallel_loop3A_96 : i32 to vector<16xi32>
        tpu.vector_store_idx %arg13[%parallel_loop3A_97, %parallel_loop3A_73], %parallel_loop3A_95 : memref<8x4096xf32, #tpu.memory_space<vmem>>[vector<16xi32>, vector<16xi32>], vector<16xf32>,
        %parallel_loop3A_98 = arith.constant 3 : i32
        %parallel_loop3A_99 = arith.addi %mul3A_54, %parallel_loop3A_98 : i32
        %parallel_loop3A_100 = arith.constant 64 : i32
        %parallel_loop3A_101 = arith.muli %parallel_loop3A_99, %parallel_loop3A_100 : i32
        %parallel_loop3A_102 = tpu.memref_slice %arg9[%parallel_loop3A_101] : memref<32768xf32, #tpu.memory_space<vmem>> -> memref<64xf32, #tpu.memory_space<vmem>>
        %parallel_loop3A_103 = tpu.vector_load_idx %parallel_loop3A_102[%parallel_loop3A_70] : memref<64xf32, #tpu.memory_space<vmem>>[vector<16xi32>], vector<16xf32>,
        %parallel_loop3A_104 = arith.constant 3 : i32
        %parallel_loop3A_105 = vector.broadcast %parallel_loop3A_104 : i32 to vector<16xi32>
        tpu.vector_store_idx %arg13[%parallel_loop3A_105, %parallel_loop3A_73], %parallel_loop3A_103 : memref<8x4096xf32, #tpu.memory_space<vmem>>[vector<16xi32>, vector<16xi32>], vector<16xf32>,
        %parallel_loop3A_106 = arith.constant 4 : i32
        %parallel_loop3A_107 = arith.addi %mul3A_54, %parallel_loop3A_106 : i32
        %parallel_loop3A_108 = arith.constant 64 : i32
        %parallel_loop3A_109 = arith.muli %parallel_loop3A_107, %parallel_loop3A_108 : i32
        %parallel_loop3A_110 = tpu.memref_slice %arg9[%parallel_loop3A_109] : memref<32768xf32, #tpu.memory_space<vmem>> -> memref<64xf32, #tpu.memory_space<vmem>>
        %parallel_loop3A_111 = tpu.vector_load_idx %parallel_loop3A_110[%parallel_loop3A_70] : memref<64xf32, #tpu.memory_space<vmem>>[vector<16xi32>], vector<16xf32>,
        %parallel_loop3A_112 = arith.constant 4 : i32
        %parallel_loop3A_113 = vector.broadcast %parallel_loop3A_112 : i32 to vector<16xi32>
        tpu.vector_store_idx %arg13[%parallel_loop3A_113, %parallel_loop3A_73], %parallel_loop3A_111 : memref<8x4096xf32, #tpu.memory_space<vmem>>[vector<16xi32>, vector<16xi32>], vector<16xf32>,
        %parallel_loop3A_114 = arith.constant 5 : i32
        %parallel_loop3A_115 = arith.addi %mul3A_54, %parallel_loop3A_114 : i32
        %parallel_loop3A_116 = arith.constant 64 : i32
        %parallel_loop3A_117 = arith.muli %parallel_loop3A_115, %parallel_loop3A_116 : i32
        %parallel_loop3A_118 = tpu.memref_slice %arg9[%parallel_loop3A_117] : memref<32768xf32, #tpu.memory_space<vmem>> -> memref<64xf32, #tpu.memory_space<vmem>>
        %parallel_loop3A_119 = tpu.vector_load_idx %parallel_loop3A_118[%parallel_loop3A_70] : memref<64xf32, #tpu.memory_space<vmem>>[vector<16xi32>], vector<16xf32>,
        %parallel_loop3A_120 = arith.constant 5 : i32
        %parallel_loop3A_121 = vector.broadcast %parallel_loop3A_120 : i32 to vector<16xi32>
        tpu.vector_store_idx %arg13[%parallel_loop3A_121, %parallel_loop3A_73], %parallel_loop3A_119 : memref<8x4096xf32, #tpu.memory_space<vmem>>[vector<16xi32>, vector<16xi32>], vector<16xf32>,
        %parallel_loop3A_122 = arith.constant 6 : i32
        %parallel_loop3A_123 = arith.addi %mul3A_54, %parallel_loop3A_122 : i32
        %parallel_loop3A_124 = arith.constant 64 : i32
        %parallel_loop3A_125 = arith.muli %parallel_loop3A_123, %parallel_loop3A_124 : i32
        %parallel_loop3A_126 = tpu.memref_slice %arg9[%parallel_loop3A_125] : memref<32768xf32, #tpu.memory_space<vmem>> -> memref<64xf32, #tpu.memory_space<vmem>>
        %parallel_loop3A_127 = tpu.vector_load_idx %parallel_loop3A_126[%parallel_loop3A_70] : memref<64xf32, #tpu.memory_space<vmem>>[vector<16xi32>], vector<16xf32>,
        %parallel_loop3A_128 = arith.constant 6 : i32
        %parallel_loop3A_129 = vector.broadcast %parallel_loop3A_128 : i32 to vector<16xi32>
        tpu.vector_store_idx %arg13[%parallel_loop3A_129, %parallel_loop3A_73], %parallel_loop3A_127 : memref<8x4096xf32, #tpu.memory_space<vmem>>[vector<16xi32>, vector<16xi32>], vector<16xf32>,
        %parallel_loop3A_130 = arith.constant 7 : i32
        %parallel_loop3A_131 = arith.addi %mul3A_54, %parallel_loop3A_130 : i32
        %parallel_loop3A_132 = arith.constant 64 : i32
        %parallel_loop3A_133 = arith.muli %parallel_loop3A_131, %parallel_loop3A_132 : i32
        %parallel_loop3A_134 = tpu.memref_slice %arg9[%parallel_loop3A_133] : memref<32768xf32, #tpu.memory_space<vmem>> -> memref<64xf32, #tpu.memory_space<vmem>>
        %parallel_loop3A_135 = tpu.vector_load_idx %parallel_loop3A_134[%parallel_loop3A_70] : memref<64xf32, #tpu.memory_space<vmem>>[vector<16xi32>], vector<16xf32>,
        %parallel_loop3A_136 = arith.constant 7 : i32
        %parallel_loop3A_137 = vector.broadcast %parallel_loop3A_136 : i32 to vector<16xi32>
        tpu.vector_store_idx %arg13[%parallel_loop3A_137, %parallel_loop3A_73], %parallel_loop3A_135 : memref<8x4096xf32, #tpu.memory_space<vmem>>[vector<16xi32>, vector<16xi32>], vector<16xf32>,
      } {sc.loop_unroll_factor = 4 : i64, sc.parallel_access}
      %mul3A_58 = arith.constant 8 : i32
      %mul3A_59 = arith.muli %add3A_52, %mul3A_58 : i32
      %add3A_60 = arith.addi %mul3A_7, %mul3A_59 : i32
      %dma_start3A_61 = arith.constant 0 : i32
      %dma_start3A_62 = tpu.memref_slice %arg8[%arg1, %add3A_60, %dma_start3A_61] : memref<16x1024x4096xf32, #tpu.memory_space<hbm>> -> memref<1x8x4096xf32, #tpu.memory_space<hbm>>
      %dma_start3A_63 = tpu.memref_squeeze %dma_start3A_62 : memref<1x8x4096xf32, #tpu.memory_space<hbm>> -> memref<8x4096xf32, #tpu.memory_space<hbm>>
      %dma_start3A_64 = arith.constant 0 : i32
      %dma_start3A_65 = tpu.memref_slice %arg8[%arg1, %add3A_60, %dma_start3A_64] : memref<16x1024x4096xf32, #tpu.memory_space<hbm>> -> memref<1x8x4096xf32, #tpu.memory_space<hbm>>
      %dma_start3A_66 = tpu.memref_squeeze %dma_start3A_65 : memref<1x8x4096xf32, #tpu.memory_space<hbm>> -> memref<8x4096xf32, #tpu.memory_space<hbm>>
      tpu.enqueue_dma source(%arg13 : memref<8x4096xf32, #tpu.memory_space<vmem>>) target(%dma_start3A_66 : memref<8x4096xf32, #tpu.memory_space<hbm>>) target_semaphore(%arg15 : memref<!tpu.dma_semaphore, #tpu.memory_space<semaphore_mem>>)
    }
    %scan3A_31 = arith.constant 31 : i32
    tpu.wait_dma2 semaphore(%arg14 : memref<!tpu.dma_semaphore, #tpu.memory_space<semaphore_mem>>) src(%arg7 : memref<8x4096xf32, #tpu.memory_space<hbm>>) dst(%arg12 : memref<8x4096xf32, #tpu.memory_space<vmem>>)
    tpu.wait_dma2 semaphore(%arg15 : memref<!tpu.dma_semaphore, #tpu.memory_space<semaphore_mem>>) src(%arg7 : memref<8x4096xf32, #tpu.memory_space<hbm>>) dst(%arg13 : memref<8x4096xf32, #tpu.memory_space<vmem>>)
    return
  }
}

</mosaic_0001>

<sc_bundles>
// kernel: kernel.3.cloned.1.call-start
scs
__scs_entry_jumppad:
0x0: {  	(pc) =	sbr.rel $0x88, $3  }
0x1: {  	(tag) =	ssettag $0x0;
	lr =	simm.s32 $0x1  }
0x2: {  	[smem:$0x3F9F] =	sst lr;
	_ =	strace $0xD0000000  }
0x3: {  	_ = 	snop  }
0x4: {  	_ = 	snop  }
0x5: {  	_ = 	snop  }
0x6: {  	_ = 	snop  }
0x7: {  	_ = 	snop  }
__scs_overlays_trampoline_lowered:
0x8: {  	[smem:$0x3FAE] =	sst s0  }
0x9: {  	[smem:$0x3FAF] =	sst s1  }
0xa: {  	[smem:$0x3FB0] =	sst s2  }
0xb: {  	[smem:$0x3FB1] =	sst s3  }
0xc: {  	[smem:$0x3FB2] =	sst s4  }
0xd: {  	[smem:$0x3FB3] =	sst s5  }
0xe: {  	[smem:$0x3FB4] =	sst s6  }
0xf: {  	[smem:$0x3FB5] =	sst s7  }
0x10: {  	[smem:$0x3FB6] =	sst s8  }
0x11: {  	[smem:$0x3FB7] =	sst s9;
	s0 =	simm.s32 @!p0 $0x0  }
0x12: {  	s1 =	sld [smem:$0x3F9D];
	s0 =	simm.s32 @p0 $0x1  }
0x13: {  	[smem:$0x3FB8] =	sst s0;
	s0 =	simm.s32 @!p1 $0x0  }
0x14: {  	s2 =	sld [smem:$0x3F9C];
	s0 =	simm.s32 @p1 $0x1  }
0x15: {  	[smem:$0x3FB9] =	sst s0;
	s0 =	simm.s32 @!p2 $0x0  }
0x16: {  	s3 =	sld [smem:$0x3FDB];
	s0 =	simm.s32 @p2 $0x1  }
0x17: {  	s4 =	simm.s32 $0x1BF5;
	[smem:$0x3FBB] =	sst s0  }
0x18: {  	s0 =	sld [smem:$0x3F9E];
	_ =	swait.ge [sflag:s4], $0x0  }
0x19: {  	s7 =	sld [smem:$0x3F9F]  }
0x1a: {  	s8 =	sadd.s32 $0xFFFFE003, lr  }
0x1b: {  	s9 =	sadd.s32 $0xFFFFFEF7, lr;
	s5 =	simm.s32 $0xFFFFFFFF;
	p2 =	slt.u32 s8, $0xFFFFF086  }
0x1c: {  	p1 =	slt.u32 s9, $0xF7A;
	s5 =	simm.s32 @!p2 $0x0  }
0x1d: {  	s5 =	simm.s32 @p1 $0x1;
	p0 =	seq.s32 s7, s2  }
0x1e: {  	s7 =	smul.u32 @!p0 $0xF7A, s2;
	p2 =	seq.s32 @!p0 s5, $0x0  }
0x1f: {  	s9 =	smul.u32 $0xF7A, s1;
	s8 =	simm.s32 @!p0 $0x1BF5;
	p2 =	por !p2, p0  }
0x20: {  	[sflag:s8] =	ssyncset.s32 @!p0 $0xFFFFF086;
	s6 =	sadd.s32 @!p0 s3, s7;
	s7 =	simm.s32 @!p0 $0x108  }
0x21: {  	s3 =	sadd.s32 s3, s9;
	s6 =	sadd.s32 @!p0 $0x88, s6;
	s7 =	simm.s32 @p2 $0x1082  }
0x22: {  	[simem:s7], [sflag:s8] =	dma.local @!p0 [hbm:s6], $0xF7A  }
0x23: {  	s9 =	sor.u32 $0xD0000000, s2;
	s6 =	simm.s32 $0x108;
	_ =	swait.ge @!p0 [sflag:s8], $0x0  }
0x24: {  	s3 =	sadd.s32 $0x88, s3;
	s6 =	simm.s32 @!p1 $0x1082;
	[sflag:s4] =	ssyncset.s32 $0xFFFFF086  }
0x25: {  	[simem:s6], [sflag:s4] =	dma.local [hbm:s3], $0xF7A  }
0x26: {  	[smem:$0x3F9F] =	sst s1;
	(tag) =	ssettag s2;
	_ =	strace s9  }
0x27: {  	s1 =	sld [smem:$0x3FAF]  }
0x28: {  	s2 =	sld [smem:$0x3FB0]  }
0x29: {  	s4 =	sld [smem:$0x3FB2]  }
0x2a: {  	p0 =	seq.s32 s5, $0x0;
	s5 =	sld [smem:$0x3FB3]  }
0x2b: {  	s6 =	sld [smem:$0x3FB4]  }
0x2c: {  	s7 =	sld [smem:$0x3FB5]  }
0x2d: {  	s3 =	simm.s32 $0x108;
	s8 =	sld [smem:$0x3FB6]  }
0x2e: {  	s3 =	simm.s32 @!p0 $0x1082;
	s9 =	sld [smem:$0x3FB7]  }
0x2f: {  	lr =	sadd.s32 s0, s3;
	s0 =	sld [smem:$0x3FAE]  }
0x30: {  	s3 =	sld [smem:$0x3FB1]  }
0x31: {  	[smem:$0x3FBA] =	sst s10  }
0x32: {  	s10 =	sld [smem:$0x3FB8];
	_ =	sdelay $0x3  }
0x33: {  	p0 =	seq.s32 s10, $0x1;
	s10 =	sld [smem:$0x3FBA];
	_ =	sdelay $0x3  }
0x34: {  	[smem:$0x3FBA] =	sst s10  }
0x35: {  	s10 =	sld [smem:$0x3FB9];
	_ =	sdelay $0x3  }
0x36: {  	p1 =	seq.s32 s10, $0x1;
	s10 =	sld [smem:$0x3FBA];
	_ =	sdelay $0x3  }
0x37: {  	[smem:$0x3FBA] =	sst s10  }
0x38: {  	s10 =	sld [smem:$0x3FBB]  }
0x39: {  	_ = 	snop;
	(pc) =	sbr.ind lr, $3  }
0x3a: {  	_ = 	snop  }
0x3b: {  	_ = 	snop  }
0x3c: {  	p2 =	seq.s32 s10, $0x1;
	s10 =	sld [smem:$0x3FBA]  }
0x3d: {  	_ =	shalt  }
0x3e: {  	_ =	shalt  }
0x3f: {  	_ =	shalt  }
0x40: {  	_ =	shalt  }
0x41: {  	_ =	shalt  }
0x42: {  	_ =	shalt  }
0x43: {  	_ =	shalt  }
0x44: {  	_ =	shalt  }
0x45: {  	_ =	shalt  }
0x46: {  	_ =	shalt  }
0x47: {  	_ =	shalt  }
0x48: {  	_ =	shalt  }
0x49: {  	_ =	shalt  }
0x4a: {  	_ =	shalt  }
0x4b: {  	_ =	shalt  }
0x4c: {  	_ =	shalt  }
0x4d: {  	_ =	shalt  }
0x4e: {  	_ =	shalt  }
0x4f: {  	_ =	shalt  }
0x50: {  	_ =	shalt  }
0x51: {  	_ =	shalt  }
0x52: {  	_ =	shalt  }
0x53: {  	_ =	shalt  }
0x54: {  	_ =	shalt  }
0x55: {  	_ =	shalt  }
0x56: {  	_ =	shalt  }
0x57: {  	_ =	shalt  }
0x58: {  	_ =	shalt  }
0x59: {  	_ =	shalt  }
0x5a: {  	_ =	shalt  }
0x5b: {  	_ =	shalt  }
0x5c: {  	_ =	shalt  }
0x5d: {  	_ =	shalt  }
0x5e: {  	_ =	shalt  }
0x5f: {  	_ =	shalt  }
0x60: {  	_ =	shalt  }
0x61: {  	_ =	shalt  }
0x62: {  	_ =	shalt  }
0x63: {  	_ =	shalt  }
0x64: {  	_ =	shalt  }
0x65: {  	_ =	shalt  }
0x66: {  	_ =	shalt  }
0x67: {  	_ =	shalt  }
0x68: {  	_ =	shalt  }
0x69: {  	_ =	shalt  }
0x6a: {  	_ =	shalt  }
0x6b: {  	_ =	shalt  }
0x6c: {  	_ =	shalt  }
0x6d: {  	_ =	shalt  }
0x6e: {  	_ =	shalt  }
0x6f: {  	_ =	shalt  }
0x70: {  	_ =	shalt  }
0x71: {  	_ =	shalt  }
0x72: {  	_ =	shalt  }
0x73: {  	_ =	shalt  }
0x74: {  	_ =	shalt  }
0x75: {  	_ =	shalt  }
0x76: {  	_ =	shalt  }
0x77: {  	_ =	shalt  }
0x78: {  	_ =	shalt  }
0x79: {  	_ =	shalt  }
0x7a: {  	_ =	shalt  }
0x7b: {  	_ =	shalt  }
0x7c: {  	_ =	shalt  }
0x7d: {  	_ =	shalt  }
0x7e: {  	_ =	shalt  }
0x7f: {  	_ =	shalt  }
0x80: {  	_ =	shalt  }
0x81: {  	_ =	shalt  }
0x82: {  	_ =	shalt  }
0x83: {  	_ =	shalt  }
0x84: {  	_ =	shalt  }
0x85: {  	_ =	shalt  }
0x86: {  	_ =	shalt  }
0x87: {  	_ =	shalt  }
.Lfunc_end0:
.L_simem_size_0:
called_computation_lowered:
.L_overlay_start_0:
0x88: {  	s2 =	sld [smem:$0x3FD9]  }
0x89: {  	s3 =	sld [smem:$0x3FFE];
	_ =	sdelay $0x1  }
0x8a: {  	s1 =	srdreg.scid  }
0x8b: {  	s0 =	sand.u32 $0x1, s1  }
0x8c: {  	s14 =	sshll.u32 s0, $0xA;
	s2 =	sadd.s32 s3, s2  }
0x8d: {  	s2 =	sadd.s32 s2, s14  }
0x8e: {  	[smem:$0x3FC6] =	sst s2  }
0x8f: {  	_ = 	snop  }
0x90: {  	s2 =	sld [smem:$0x3FD0];
	_ =	sdelay $0x2  }
0x91: {  	s15 =	simm.s32 $0xA;
	s4 =	simm.s32 $0x10  }
0x92: {  	[smem:s4], [sflag:s15] =	dma.local [hbm:s2], $0x1  }
0x93: {  	_ =	swait.eq [sflag:s15], $0x1  }
0x94: {  	[sflag:s15] =	ssyncset.done $0x0  }
0x95: {  	[sflag:s15] =	ssyncadd.s32 $0xFFFFFFFF  }
0x96: {  	s16 =	sld [smem:$0x10];
	(tm) =	ssettm $0x1  }
0x97: {  	s17 =	sld [smem:$0x3FFB];
	_ =	sdelay $0x3  }
0x98: {  	_ =	strace s17  }
0x99: {  	s3 =	sld [smem:$0x3FFC];
	_ =	sdelay $0x3  }
0x9a: {  	_ =	strace s3  }
0x9b: {  	s3 =	sld [smem:$0x3FFD];
	_ =	sdelay $0x3  }
0x9c: {  	_ =	strace s3  }
0x9d: {  	_ =	strace $0x8FFFFFFF  }
0x9e: {  	s18 =	sld [smem:$0x3FDB];
	_ =	sdelay $0x1  }
0x9f: {  	s19 =	simm.s32 $_scs_section_size  }
0xa0: {  	s5 =	simm.s32 $_size__tile_overlayer_lowered;
	s6 =	simm.s32 $_tile_overlayer_lowered  }
0xa1: {  	s22 =	simm.s32 $0x1BFF;
	s21 =	sshll.u32 s6, $0x1;
	s3 =	sadd.s32 s19, s18  }
0xa2: {  	s7 =	simm.s32 $0x0;
	s20 =	sshll.u32 s5, $0x1;
	s5 =	sadd.s32 s21, s3  }
0xa3: {  	[timem:s7], [sflag:s22] =	dma.local [hbm:s5], s20  }
0xa4: {  	_ =	swait.ge [sflag:s22], s20  }
0xa5: {  	s4 =	ssub.s32 $0x0, s20;
	[sflag:s22] =	ssyncset.done $0x0  }
0xa6: {  	[sflag:s22] =	ssyncadd.s32 s4;
	_ =	sdelay $0x1  }
0xa7: {  	s23 =	simm.s32 $0x1B8B  }
0xa8: {  	_ =	swait.ge [sflag:s23], $0x1  }
0xa9: {  	[sflag:s23] =	ssyncset.done $0x0  }
0xaa: {  	s25 =	simm.s32 $0x1B8E;
	s24 =	sld [smem:$0x3FFE];
	[sflag:s23] =	ssyncadd.s32 $0xFFFFFFFF  }
0xab: {  	s26 =	simm.s32 $execute0_lowered;
	[smem:$0x3FD2] =	sst s25  }
0xac: {  	s5 =	sshll.u32 s26, $0x1;
	_ =	strace $0x80000046;
	[dreg:$0x1] =	wrdreg $0xFFFFFFFF  }
0xad: {  	s28 =	simm.s32 $_size_execute0_lowered;
	s3 =	sadd.s32 s3, s5;
	[dreg:$0x0] =	wrdreg $0x0  }
0xae: {  	s5 =	sshll.u32 s28, $0x1;
	[dreg:$0x2] =	wrdreg s3  }
0xaf: {  	[dreg:$0x3] =	wrdreg s5  }
0xb0: {  	[dreg:$0x4] =	wrdreg $0xC0  }
0xb1: {  	_ =	task [dreg:s7], $0x5FFFF  }
0xb2: {  	[dreg:$0x1] =	wrdreg $0xFFFFFFFF  }
0xb3: {  	[dreg:$0x0] =	wrdreg $0x60  }
0xb4: {  	[dreg:$0x2] =	wrdreg s16  }
0xb5: {  	[dreg:$0x3] =	wrdreg s24  }
0xb6: {  	[dreg:$0x4] =	wrdreg $0x9  }
0xb7: {  	_ =	task.clear_ibuf [dreg:s7], $0x5FFFF;
	_ =	strace $0x90000046  }
0xb8: {  	s29 =	simm.s32 $0x9;
	_ =	strace $0x80000048  }
0xb9: {  	_ =	swait.ge [sflag:s29], $0x1  }
0xba: {  	[sflag:s29] =	ssyncadd.s32 $0xFFFFFFFF  }
0xbb: {  	_ =	strace $0x90000048  }
0xbc: {  	_ =	sfence  }
0xbd: {  	s30 =	sld [smem:$0x0];
	_ =	sdelay $0x2  }
0xbe: {  	s31 =	sshll.u32 s1, $0xD;
	s1 =	sshrl.u32 s1, $0x2  }
0xbf: {  	s3 =	sand.u32 $0x4000, s31;
	s1 =	sadd.s32 s1, s30  }
0xc0: {  	s0 =	sor.u32 s3, s0;
	s1 =	sshll.u32 s1, $0x11  }
0xc1: {  	s0 =	sor.u32 s1, s0  }
0xc2: {  	s0 =	sadd.s32 $0x8F2B, s0  }
0xc3: {  	[sflag:s0] =	ssyncadd.remote.s32 $0x1  }
0xc4: {  	_ =	sfence.sel $0xFFFF  }
0xc5: {  	[dreg:$0x0] =	wrdreg $0xFFFFFFFF;
	(pc) =	sbr.abs _section_cstart, $3  }
0xc6: {  	[dreg:$0x1] =	wrdreg $0xFFFFFFFF  }
0xc7: {  	_ =	task.clear_ibuf [dreg:s7], $0x2FFFF;
	_ =	strace $0x9FFFFFFF  }
0xc8: {  	(tm) =	ssettm $0x7FFFFFFF  }
0xc9: {  	_ =	shalt  }
tec
execute0_lowered:
.L_overlay_start_1:
0x0: {  	(tag) =	ssettag $0x1  }
0x1: {  	s0 =	rddreg [dreg:$0x0]  }
0x2: {  	s2 =	rddreg [dreg:$0x1];
	s1 =	simm.s32 $0x0  }
0x3: {  	s20 =	srdreg.scid;
	s10 =	stileid.u32;
	s12 =	simm.s32 $0x80  }
0x4: {  	s17 =	simm.s32 $0xD800;
	s18 =	simm.s32 $0x15800;
	s19 =	simm.s32 $0x40  }
0x5: {  	s28 =	simm.s32 $0x280;
	s29 =	simm.s32 $0x2C0;
	s30 =	simm.s32 $0x300  }
0x6: {  	s31 =	simm.s32 $0x340;
	[smem:$0x7FF] =	sst s1;
	s3 =	sadd.s32 $0xE00, s2  }
0x7: {  	s4 =	sadd.s32 $0x10E00, s2;
	s9 =	sadd.s32 $0x11400, s2;
	s5 =	sadd.s32 $0x11A00, s2  }
0x8: {  	s6 =	sadd.s32 $0x12000, s2;
	s11 =	sadd.s32 $0x13000, s2;
	s8 =	sshll.u32 s10, $0x16  }
0x9: {  	s23 =	sshll.u32 s10, $0xC;
	_ =	strace $0x80000047;
	[dreg:$0x3] =	wrdreg s4  }
0xa: {  	s24 =	sshll.u32 s10, $0x4;
	[dreg:$0x5] =	wrdreg s6;
	s4 =	sand.u32 $0x1, s20  }
0xb: {  	s6 =	sand.u32 $0x70, s24;
	[dreg:$0x6] =	wrdreg s11;
	s25 =	sand.u32 $0x8000, s23  }
0xc: {  	s20 =	simm.s32 $0xC0;
	s23 =	simm.s32 $0x180;
	s24 =	simm.s32 $0x1C0  }
0xd: {  	s21 =	ssub.s32 $0x2, s4;
	s7 =	sshll.u32 s4, $0x15;
	p0 =	seq.s32 s4, $0x1  }
0xe: {  	s4 =	simm.s32 $0x3C0;
	s22 =	sshrl.u32 s21, $0x1;
	s7 =	sor.u32 s7, s8  }
0xf: {  	s0 =	smov.u32 @p0 s3;
	s9 =	smov.u32 @p0 s5;
	s5 =	simm.s32 $0x0  }
0x10: {  	s2 =	ssub.s32 s21, s22;
	[dreg:$0x7] =	wrdreg s7;
	s7 =	sshrl.u32 s7, $0x3  }
0x11: {  	s0 =	sadd.s32 s0, s6;
	[dreg:$0x4] =	wrdreg s9;
	s7 =	sadd.s32 s11, s7  }
0x12: {  	s21 =	simm.s32 $0x100;
	s2 =	smax.u32 s2, $0x1;
	[dreg:$0x8] =	wrdreg s7  }
0x13: {  	s22 =	simm.s32 $0x140;
	s0 =	sadd.s32 s25, s0;
	[dreg:$0xa] =	wrdreg s2  }
0x14: {  	s25 =	simm.s32 $0x200;
	s26 =	sadd.s32 $0x1000, s7;
	[dreg:$0xb] =	wrdreg s0  }
0x15: {  	s0 =	simm.s32 $0x380;
	[dreg:$0x9] =	wrdreg s26;
	s26 =	simm.s32 $0x240  }
.LBB2_1:
0x16: {  	[dreg:$0xc] =	wrdreg s5  }
0x17: {  	s2 =	rddreg [dreg:$0xb];
	s3 =	simm.s32 $0x400;
	s16 =	simm.s32 $0x3  }
0x18: {  	[tilespmem:s1], [sflag:$0x3] =	stream.strided.gather [hbm4b:s2+s12], $0x8000, s3, s12, $0x38;
	[tilespmem:$0x1D800] =	vst v63  }
0x19: {  	_ =	swait.ge [sflag:s16], $0x8000  }
0x1a: {  	[sflag:s16] =	ssyncset.done $0x0  }
0x1b: {  	s7 =	simm.s32 $0x8000;
	s6 =	rddreg [dreg:$0x4];
	[sflag:s16] =	ssyncadd.s32 $0xFFFF8000  }
0x1c: {  	[tilespmem:s7], [sflag:$0x3] =	stream.linear.gather [hbm4b:s6+s1], $0x2A00, $0x38;
	[tilespmem:$0x1D800] =	vst v63  }
0x1d: {  	_ =	swait.ge [sflag:s16], $0x2A00  }
0x1e: {  	[sflag:s16] =	ssyncset.done $0x0  }
0x1f: {  	s9 =	simm.s32 $0xAC00;
	s8 =	rddreg [dreg:$0x3];
	[sflag:s16] =	ssyncadd.s32 $0xFFFFD600  }
0x20: {  	[tilespmem:s9], [sflag:$0x3] =	stream.linear.gather [hbm4b:s8+s1], $0x2A00, $0x38;
	[tilespmem:$0x1D800] =	vst v63  }
0x21: {  	_ =	swait.ge [sflag:s16], $0x2A00  }
0x22: {  	[sflag:s16] =	ssyncset.done $0x0  }
0x23: {  	s10 =	rddreg [dreg:$0x5];
	[sflag:s16] =	ssyncadd.s32 $0xFFFFD600  }
0x24: {  	[tilespmem:s17], [sflag:$0x3] =	stream.linear.gather [hbm4b:s10+s1], $0x8000, $0x38;
	[tilespmem:$0x1D800] =	vst v63  }
0x25: {  	_ =	swait.ge [sflag:s16], $0x8000  }
0x26: {  	[sflag:s16] =	ssyncset.done $0x0  }
0x27: {  	[sflag:s16] =	ssyncadd.s32 $0xFFFF8000  }
0x28: {  	[tilespmem:s18], [sflag:$0x3] =	stream.linear.gather [hbm4b:s10+s1], $0x8000, $0x38;
	[tilespmem:$0x1D800] =	vst v63  }
0x29: {  	_ =	swait.ge [sflag:s16], $0x8000  }
0x2a: {  	[sflag:s16] =	ssyncset.done $0x0  }
0x2b: {  	s11 =	simm.s32 $0x8100;
	[sflag:s16] =	ssyncadd.s32 $0xFFFF8000  }
0x2c: {  	s13 =	simm.s32 $0xAD00;
	v3 =	vld [tilespmem:s11+$0x80]  }
0x2d: {  	v0 =	vld [tilespmem:s13+$0x80];
	_ =	sdelay $0x3  }
0x2e: {  	v2 =	vld [tilespmem:s11+$0xFFFFFF00]  }
0x2f: {  	v1 =	vld [tilespmem:s13+$0xFFFFFF00];
	v4 =	vshll.u32 v0, $0x3  }
0x30: {  	v6 =	vld [tilespmem:s13+$0xFFFFFF80];
	v0 =	vand.u32 $0x7F, v0;
	v4 =	vand.u32 $0xFFFFFC00, v4  }
0x31: {  	v5 =	vor.u32 v0, v4;
	v8 =	vld.idx.msk [tilespmem:v3+s1+$0x0], $0xffff  }
0x32: {  	v10 =	vld [tilespmem:s11+$0xFFFFFF80];
	_ =	sdelay $0x1  }
0x33: {  	v7 =	vld [tilespmem:s11+$0x0]  }
0x34: {  	v9 =	vand.u32 $0x7F, v6;
	v0 =	vld [tilespmem:s13+$0x0];
	v4 =	vshll.u32 v1, $0x3  }
0x35: {  	v6 =	vshll.u32 v6, $0x3;
	v1 =	vand.u32 $0x7F, v1;
	v4 =	vand.u32 $0xFFFFFC00, v4;
	[tilespmem:v5+s17+$0x0] =	vst.idx.msk $0xffff, v8  }
0x36: {  	v13 =	vor.u32 $0x80, v5;
	v11 =	vor.u32 v1, v4;
	v1 =	vand.u32 $0xFFFFFC00, v6;
	v6 =	vld.idx.msk [tilespmem:v3+s19+$0x0], $0xffff  }
0x37: {  	s14 =	simm.s32 $0x8300;
	v12 =	vld.idx.msk [tilespmem:v2+s1+$0x0], $0xffff  }
0x38: {  	v16 =	vld [tilespmem:s14+$0x80]  }
0x39: {  	s15 =	simm.s32 $0xAF00;
	v14 =	vld.idx.msk [tilespmem:v10+s1+$0x0], $0xffff;
	v4 =	vshll.u32 v0, $0x3;
	v8 =	vor.u32 v9, v1  }
0x3a: {  	v20 =	vld [tilespmem:s15+$0xFFFFFF80];
	v0 =	vand.u32 $0x7F, v0;
	v1 =	vand.u32 $0xFFFFFC00, v4  }
0x3b: {  	v4 =	vld.idx.msk [tilespmem:v7+s1+$0x0], $0xffff;
	v9 =	vor.u32 v0, v1;
	[tilespmem:v13+s17+$0x0] =	vst.idx.msk $0xffff, v6  }
0x3c: {  	[tilespmem:v11+s17+$0x0] =	vst.idx.msk $0xffff, v12;
	v12 =	vor.u32 $0x100, v5;
	v6 =	vld.idx.msk [tilespmem:v3+s12+$0x0], $0xffff  }
0x3d: {  	v0 =	vor.u32 $0x80, v11;
	v1 =	vld.idx.msk [tilespmem:v2+s19+$0x0], $0xffff  }
0x3e: {  	v23 =	vld [tilespmem:s15+$0x0];
	[tilespmem:v8+s17+$0x0] =	vst.idx.msk $0xffff, v14  }
0x3f: {  	s2 =	simm.s32 $0xB100;
	v13 =	vor.u32 $0x80, v8;
	v14 =	vld.idx.msk [tilespmem:v10+s19+$0x0], $0xffff  }
0x40: {  	v29 =	vld [tilespmem:s2+$0xFFFFFF00];
	[tilespmem:v9+s17+$0x0] =	vst.idx.msk $0xffff, v4  }
0x41: {  	v4 =	vor.u32 $0x80, v9;
	v15 =	vld.idx.msk [tilespmem:v7+s19+$0x0], $0xffff;
	[tilespmem:v12+s17+$0x0] =	vst.idx.msk $0xffff, v6  }
0x42: {  	[tilespmem:v0+s17+$0x0] =	vst.idx.msk $0xffff, v1;
	v12 =	vor.u32 $0x180, v5;
	v6 =	vld.idx.msk [tilespmem:v3+s20+$0x0], $0xffff  }
0x43: {  	v0 =	vor.u32 $0x100, v11;
	v1 =	vld.idx.msk [tilespmem:v2+s12+$0x0], $0xffff  }
0x44: {  	v31 =	vld [tilespmem:s2+$0xFFFFFF80];
	[tilespmem:v13+s17+$0x0] =	vst.idx.msk $0xffff, v14  }
0x45: {  	v13 =	vor.u32 $0x100, v8;
	v14 =	vld.idx.msk [tilespmem:v10+s12+$0x0], $0xffff  }
0x46: {  	v35 =	vld [tilespmem:s2+$0x0];
	[tilespmem:v4+s17+$0x0] =	vst.idx.msk $0xffff, v15  }
0x47: {  	v4 =	vor.u32 $0x100, v9;
	v15 =	vld.idx.msk [tilespmem:v7+s12+$0x0], $0xffff;
	[tilespmem:v12+s17+$0x0] =	vst.idx.msk $0xffff, v6  }
0x48: {  	[tilespmem:v0+s17+$0x0] =	vst.idx.msk $0xffff, v1;
	v6 =	vor.u32 $0x200, v5;
	v1 =	vld.idx.msk [tilespmem:v3+s21+$0x0], $0xffff  }
0x49: {  	v0 =	vld [tilespmem:s14+$0xFFFFFF80]  }
0x4a: {  	[tilespmem:v13+s17+$0x0] =	vst.idx.msk $0xffff, v14;
	v13 =	vld [tilespmem:s14+$0xFFFFFF00]  }
0x4b: {  	v12 =	vld [tilespmem:s15+$0x80]  }
0x4c: {  	[tilespmem:v4+s17+$0x0] =	vst.idx.msk $0xffff, v15;
	v15 =	vld [tilespmem:s15+$0xFFFFFF00]  }
0x4d: {  	[tilespmem:v6+s17+$0x0] =	vst.idx.msk $0xffff, v1;
	v1 =	vld [tilespmem:s14+$0x0]  }
0x4e: {  	v14 =	vor.u32 $0x280, v5;
	v6 =	vld.idx.msk [tilespmem:v3+s22+$0x0], $0xffff  }
0x4f: {  	v22 =	vld.idx.msk [tilespmem:v16+s1+$0x0], $0xffff  }
0x50: {  	v21 =	vor.u32 $0x180, v11;
	v18 =	vld.idx.msk [tilespmem:v2+s20+$0x0], $0xffff;
	v17 =	vshll.u32 v12, $0x3  }
0x51: {  	v25 =	vor.u32 $0x180, v9;
	v4 =	vld.idx.msk [tilespmem:v7+s20+$0x0], $0xffff;
	v12 =	vand.u32 $0x7F, v12;
	v17 =	vand.u32 $0xFFFFFC00, v17  }
0x52: {  	v19 =	vld.idx.msk [tilespmem:v10+s20+$0x0], $0xffff;
	v17 =	vor.u32 v12, v17  }
0x53: {  	v27 =	vor.u32 $0x300, v5;
	v26 =	vld.idx.msk [tilespmem:v0+s1+$0x0], $0xffff;
	v12 =	vshll.u32 v15, $0x3;
	[tilespmem:v14+s17+$0x0] =	vst.idx.msk $0xffff, v6;
	v6 =	vor.u32 $0x180, v8  }
0x54: {  	v12 =	vand.u32 $0xFFFFFC00, v12;
	v14 =	vand.u32 $0x7F, v15;
	v15 =	vshll.u32 v20, $0x3;
	v24 =	vld.idx.msk [tilespmem:v3+s23+$0x0], $0xffff  }
0x55: {  	[tilespmem:v21+s17+$0x0] =	vst.idx.msk $0xffff, v18;
	v18 =	vand.u32 $0x7F, v20;
	v20 =	vld.idx.msk [tilespmem:v13+s1+$0x0], $0xffff;
	v12 =	vor.u32 v14, v12;
	v14 =	vand.u32 $0xFFFFFC00, v15  }
0x56: {  	[tilespmem:v25+s17+$0x0] =	vst.idx.msk $0xffff, v4;
	v28 =	vld.idx.msk [tilespmem:v1+s1+$0x0], $0xffff;
	v14 =	vor.u32 v18, v14  }
0x57: {  	[tilespmem:v17+s17+$0x0] =	vst.idx.msk $0xffff, v22;
	v22 =	vor.u32 $0x200, v11;
	v15 =	vshll.u32 v23, $0x3;
	v18 =	vld.idx.msk [tilespmem:v2+s21+$0x0], $0xffff  }
0x58: {  	v21 =	vor.u32 $0x80, v17;
	v15 =	vand.u32 $0xFFFFFC00, v15;
	[tilespmem:v6+s17+$0x0] =	vst.idx.msk $0xffff, v19;
	v6 =	vand.u32 $0x7F, v23;
	v19 =	vld.idx.msk [tilespmem:v16+s19+$0x0], $0xffff  }
0x59: {  	v15 =	vor.u32 v6, v15;
	v6 =	vld.idx.msk [tilespmem:v10+s21+$0x0], $0xffff;
	[tilespmem:v27+s17+$0x0] =	vst.idx.msk $0xffff, v24  }
0x5a: {  	[tilespmem:v12+s17+$0x0] =	vst.idx.msk $0xffff, v20;
	v23 =	vld.idx.msk [tilespmem:v3+s24+$0x0], $0xffff;
	v3 =	vor.u32 $0x200, v8  }
0x5b: {  	v20 =	vor.u32 $0x80, v12;
	v24 =	vld.idx.msk [tilespmem:v13+s19+$0x0], $0xffff;
	[tilespmem:v14+s17+$0x0] =	vst.idx.msk $0xffff, v26  }
0x5c: {  	v4 =	vld.idx.msk [tilespmem:v7+s21+$0x0], $0xffff;
	[tilespmem:v22+s17+$0x0] =	vst.idx.msk $0xffff, v18;
	v18 =	vor.u32 $0x200, v9  }
0x5d: {  	v25 =	vor.u32 $0x80, v14;
	v26 =	vld.idx.msk [tilespmem:v0+s19+$0x0], $0xffff;
	[tilespmem:v21+s17+$0x0] =	vst.idx.msk $0xffff, v19  }
0x5e: {  	v21 =	vor.u32 $0x100, v17;
	[tilespmem:v15+s17+$0x0] =	vst.idx.msk $0xffff, v28;
	v19 =	vld.idx.msk [tilespmem:v16+s12+$0x0], $0xffff  }
0x5f: {  	v27 =	vor.u32 $0x80, v15;
	v28 =	vld.idx.msk [tilespmem:v1+s19+$0x0], $0xffff;
	[tilespmem:v3+s17+$0x0] =	vst.idx.msk $0xffff, v6  }
0x60: {  	v22 =	vld.idx.msk [tilespmem:v2+s22+$0x0], $0xffff;
	v3 =	vor.u32 $0x280, v11;
	[tilespmem:v20+s17+$0x0] =	vst.idx.msk $0xffff, v24  }
0x61: {  	[tilespmem:v18+s17+$0x0] =	vst.idx.msk $0xffff, v4;
	v6 =	vld.idx.msk [tilespmem:v10+s22+$0x0], $0xffff  }
0x62: {  	v20 =	vor.u32 $0x280, v8;
	v24 =	vld.idx.msk [tilespmem:v13+s12+$0x0], $0xffff;
	[tilespmem:v25+s17+$0x0] =	vst.idx.msk $0xffff, v26  }
0x63: {  	v25 =	vor.u32 $0x100, v12;
	v26 =	vld.idx.msk [tilespmem:v0+s12+$0x0], $0xffff;
	[tilespmem:v21+s17+$0x0] =	vst.idx.msk $0xffff, v19  }
0x64: {  	[tilespmem:v27+s17+$0x0] =	vst.idx.msk $0xffff, v28;
	v21 =	vld.idx.msk [tilespmem:v16+s20+$0x0], $0xffff;
	v28 =	vor.u32 $0x180, v17  }
0x65: {  	v19 =	vor.u32 $0x100, v14;
	[tilespmem:v3+s17+$0x0] =	vst.idx.msk $0xffff, v22;
	v3 =	vld.idx.msk [tilespmem:v7+s22+$0x0], $0xffff  }
0x66: {  	v27 =	vld.idx.msk [tilespmem:v1+s12+$0x0], $0xffff  }
0x67: {  	v4 =	vor.u32 $0x100, v15;
	v22 =	vld.idx.msk [tilespmem:v2+s23+$0x0], $0xffff;
	[tilespmem:v20+s17+$0x0] =	vst.idx.msk $0xffff, v6  }
0x68: {  	v6 =	vor.u32 $0x300, v11;
	[tilespmem:v25+s17+$0x0] =	vst.idx.msk $0xffff, v24;
	v20 =	vld.idx.msk [tilespmem:v10+s23+$0x0], $0xffff  }
0x69: {  	v18 =	vor.u32 $0x280, v9;
	v24 =	vld.idx.msk [tilespmem:v13+s20+$0x0], $0xffff;
	[tilespmem:v28+s17+$0x0] =	vst.idx.msk $0xffff, v21  }
0x6a: {  	[tilespmem:v19+s17+$0x0] =	vst.idx.msk $0xffff, v26;
	v26 =	vor.u32 $0x200, v17;
	v21 =	vld.idx.msk [tilespmem:v16+s21+$0x0], $0xffff  }
0x6b: {  	s16 =	simm.s32 $0x8500;
	v19 =	vld.idx.msk [tilespmem:v0+s20+$0x0], $0xffff  }
0x6c: {  	[tilespmem:v4+s17+$0x0] =	vst.idx.msk $0xffff, v27;
	v4 =	vld [tilespmem:s16+$0x80]  }
0x6d: {  	[tilespmem:v6+s17+$0x0] =	vst.idx.msk $0xffff, v22;
	v6 =	vld [tilespmem:s2+$0x80]  }
0x6e: {  	v30 =	vor.u32 $0x180, v12;
	[tilespmem:v18+s17+$0x0] =	vst.idx.msk $0xffff, v3;
	v3 =	vld [tilespmem:s16+$0xFFFFFF80]  }
0x6f: {  	v33 =	vor.u32 $0x180, v14;
	v18 =	vld.idx.msk [tilespmem:v7+s23+$0x0], $0xffff;
	[tilespmem:v26+s17+$0x0] =	vst.idx.msk $0xffff, v21  }
0x70: {  	v26 =	vor.u32 $0x280, v17;
	v21 =	vld.idx.msk [tilespmem:v16+s22+$0x0], $0xffff  }
0x71: {  	v27 =	vor.u32 $0x380, v5;
	v5 =	vld [tilespmem:s16+$0xFFFFFF00]  }
0x72: {  	v11 =	vor.u32 $0x380, v11;
	v28 =	vor.u32 $0x300, v8;
	v25 =	vld.idx.msk [tilespmem:v1+s20+$0x0], $0xffff;
	v32 =	vshll.u32 v6, $0x3  }
0x73: {  	v22 =	vld.idx.msk [tilespmem:v2+s24+$0x0], $0xffff;
	[tilespmem:v30+s17+$0x0] =	vst.idx.msk $0xffff, v24;
	v24 =	vshll.u32 v29, $0x3;
	v6 =	vand.u32 $0x7F, v6;
	v32 =	vand.u32 $0xFFFFFC00, v32  }
0x74: {  	v24 =	vand.u32 $0xFFFFFC00, v24;
	[tilespmem:v33+s17+$0x0] =	vst.idx.msk $0xffff, v19;
	v6 =	vor.u32 v6, v32;
	v34 =	vld.idx.msk [tilespmem:v4+s1+$0x0], $0xffff  }
0x75: {  	v2 =	vld [tilespmem:s16+$0x0];
	v19 =	vand.u32 $0x7F, v29;
	v29 =	vshll.u32 v31, $0x3;
	[tilespmem:v26+s17+$0x0] =	vst.idx.msk $0xffff, v21;
	v21 =	vor.u32 $0x180, v15  }
0x76: {  	[tilespmem:v27+s17+$0x0] =	vst.idx.msk $0xffff, v23;
	v27 =	vor.u32 $0x300, v9;
	v24 =	vor.u32 v19, v24;
	v19 =	vand.u32 $0xFFFFFC00, v29;
	v29 =	vld.idx.msk [tilespmem:v13+s21+$0x0], $0xffff  }
0x77: {  	[tilespmem:v28+s17+$0x0] =	vst.idx.msk $0xffff, v20;
	v26 =	vor.u32 $0x300, v17;
	v23 =	vld.idx.msk [tilespmem:v16+s23+$0x0], $0xffff  }
0x78: {  	[tilespmem:v11+s17+$0x0] =	vst.idx.msk $0xffff, v22;
	v20 =	vld.idx.msk [tilespmem:v3+s1+$0x0], $0xffff  }
0x79: {  	v31 =	vand.u32 $0x7F, v31;
	v30 =	vld.idx.msk [tilespmem:v5+s1+$0x0], $0xffff;
	[tilespmem:v6+s17+$0x0] =	vst.idx.msk $0xffff, v34  }
0x7a: {  	[tilespmem:v21+s17+$0x0] =	vst.idx.msk $0xffff, v25;
	v25 =	vor.u32 v31, v19;
	v21 =	vld.idx.msk [tilespmem:v4+s19+$0x0], $0xffff  }
0x7b: {  	v32 =	vor.u32 $0x80, v6;
	[tilespmem:v27+s17+$0x0] =	vst.idx.msk $0xffff, v18;
	v19 =	vshll.u32 v35, $0x3;
	v11 =	vld.idx.msk [tilespmem:v1+s21+$0x0], $0xffff  }
0x7c: {  	v31 =	vand.u32 $0x7F, v35;
	v19 =	vand.u32 $0xFFFFFC00, v19;
	[tilespmem:v26+s17+$0x0] =	vst.idx.msk $0xffff, v23;
	v23 =	vld.idx.msk [tilespmem:v7+s24+$0x0], $0xffff;
	v7 =	vor.u32 $0x200, v15  }
0x7d: {  	v28 =	vld.idx.msk [tilespmem:v2+s1+$0x0], $0xffff;
	v35 =	vor.u32 v31, v19  }
0x7e: {  	v17 =	vor.u32 $0x380, v17;
	[tilespmem:v24+s17+$0x0] =	vst.idx.msk $0xffff, v30;
	v18 =	vld.idx.msk [tilespmem:v16+s24+$0x0], $0xffff  }
0x7f: {  	v33 =	vld.idx.msk [tilespmem:v0+s21+$0x0], $0xffff;
	v19 =	vor.u32 $0x200, v12;
	[tilespmem:v25+s17+$0x0] =	vst.idx.msk $0xffff, v20  }
0x80: {  	v16 =	vld.idx.msk [tilespmem:v10+s24+$0x0], $0xffff;
	v10 =	vor.u32 $0x200, v14;
	[tilespmem:v32+s17+$0x0] =	vst.idx.msk $0xffff, v21  }
0x81: {  	v22 =	vld.idx.msk [tilespmem:v5+s19+$0x0], $0xffff;
	v20 =	vor.u32 $0x80, v24;
	[tilespmem:v7+s17+$0x0] =	vst.idx.msk $0xffff, v11  }
0x82: {  	v21 =	vor.u32 $0x80, v25;
	v26 =	vld.idx.msk [tilespmem:v3+s19+$0x0], $0xffff;
	[tilespmem:v35+s17+$0x0] =	vst.idx.msk $0xffff, v28  }
0x83: {  	v30 =	vor.u32 $0x100, v6;
	v27 =	vld.idx.msk [tilespmem:v4+s12+$0x0], $0xffff;
	[tilespmem:v17+s17+$0x0] =	vst.idx.msk $0xffff, v18  }
0x84: {  	v39 =	vor.u32 $0x280, v15;
	[tilespmem:v19+s17+$0x0] =	vst.idx.msk $0xffff, v29;
	v37 =	vld.idx.msk [tilespmem:v1+s22+$0x0], $0xffff  }
0x85: {  	v17 =	vor.u32 $0x80, v35;
	[tilespmem:v10+s17+$0x0] =	vst.idx.msk $0xffff, v33;
	v28 =	vld.idx.msk [tilespmem:v2+s19+$0x0], $0xffff  }
0x86: {  	v18 =	vld.idx.msk [tilespmem:v13+s22+$0x0], $0xffff;
	[tilespmem:v20+s17+$0x0] =	vst.idx.msk $0xffff, v22  }
0x87: {  	v10 =	vor.u32 $0x280, v12;
	v19 =	vld.idx.msk [tilespmem:v0+s22+$0x0], $0xffff;
	[tilespmem:v21+s17+$0x0] =	vst.idx.msk $0xffff, v26  }
0x88: {  	v20 =	vor.u32 $0x280, v14;
	v22 =	vld.idx.msk [tilespmem:v5+s12+$0x0], $0xffff;
	[tilespmem:v30+s17+$0x0] =	vst.idx.msk $0xffff, v27  }
0x89: {  	v21 =	vor.u32 $0x100, v24;
	v26 =	vld.idx.msk [tilespmem:v3+s12+$0x0], $0xffff;
	[tilespmem:v39+s17+$0x0] =	vst.idx.msk $0xffff, v37  }
0x8a: {  	v27 =	vor.u32 $0x100, v25;
	[tilespmem:v17+s17+$0x0] =	vst.idx.msk $0xffff, v28;
	v17 =	vld.idx.msk [tilespmem:v4+s20+$0x0], $0xffff  }
0x8b: {  	v38 =	vor.u32 $0x300, v12;
	v30 =	vor.u32 $0x180, v6;
	v33 =	vld.idx.msk [tilespmem:v1+s23+$0x0], $0xffff  }
0x8c: {  	v41 =	vor.u32 $0x300, v14;
	v9 =	vor.u32 $0x380, v9;
	v63 =	vor.u32 $0x100, v35;
	[tilespmem:v10+s17+$0x0] =	vst.idx.msk $0xffff, v18;
	v29 =	vld.idx.msk [tilespmem:v2+s12+$0x0], $0xffff  }
0x8d: {  	v7 =	vor.u32 $0x380, v8;
	v11 =	vor.u32 $0x380, v12;
	v8 =	vor.u32 $0x380, v14;
	v40 =	vld.idx.msk [tilespmem:v13+s23+$0x0], $0xffff;
	[tilespmem:v20+s17+$0x0] =	vst.idx.msk $0xffff, v19  }
0x8e: {  	v12 =	vor.u32 $0x300, v15;
	v14 =	vor.u32 $0x300, v25;
	v37 =	vor.u32 $0x200, v6;
	[tilespmem:v21+s17+$0x0] =	vst.idx.msk $0xffff, v22;
	v42 =	vld.idx.msk [tilespmem:v0+s23+$0x0], $0xffff  }
0x8f: {  	v10 =	vor.u32 $0x380, v15;
	v28 =	vor.u32 $0x180, v24;
	v18 =	vor.u32 $0x280, v24;
	v31 =	vld.idx.msk [tilespmem:v5+s20+$0x0], $0xffff;
	[tilespmem:v27+s17+$0x0] =	vst.idx.msk $0xffff, v26  }
0x90: {  	v15 =	vor.u32 $0x300, v24;
	v19 =	vor.u32 $0x200, v25;
	v27 =	vor.u32 $0x180, v25;
	v32 =	vld.idx.msk [tilespmem:v3+s20+$0x0], $0xffff;
	[tilespmem:v30+s17+$0x0] =	vst.idx.msk $0xffff, v17  }
0x91: {  	v20 =	vor.u32 $0x280, v35;
	v21 =	vor.u32 $0x200, v24;
	v22 =	vor.u32 $0x200, v35;
	[tilespmem:v63+s17+$0x0] =	vst.idx.msk $0xffff, v29;
	v34 =	vld.idx.msk [tilespmem:v4+s21+$0x0], $0xffff  }
0x92: {  	v26 =	vor.u32 $0x380, v24;
	v24 =	vor.u32 $0x380, v25;
	v30 =	vor.u32 $0x180, v35;
	[tilespmem:v38+s17+$0x0] =	vst.idx.msk $0xffff, v40;
	v36 =	vld.idx.msk [tilespmem:v2+s20+$0x0], $0xffff  }
0x93: {  	s5 =	simm.s32 $0x8700;
	s3 =	simm.s32 $0x8;
	v17 =	vor.u32 $0x280, v25;
	v25 =	vor.u32 $0x380, v35;
	v29 =	vor.u32 $0x300, v35;
	v35 =	vld.idx.msk [tilespmem:v13+s24+$0x0], $0xffff;
	[tilespmem:v41+s17+$0x0] =	vst.idx.msk $0xffff, v42  }
.LBB2_2:
0x94: {  	v38 =	vld [tilespmem:s5+$0x80];
	s3 =	sadd.s32 $0x4, s3;
	[tilespmem:v28+s17+$0x0] =	vst.idx.msk $0xffff, v31  }
0x95: {  	s2 =	sadd.s32 $0x200, s2;
	v31 =	vld [tilespmem:s5+$0xFFFFFF80];
	p0 =	slt.u32 s3, $0x50;
	[tilespmem:v27+s17+$0x0] =	vst.idx.msk $0xffff, v32  }
0x96: {  	v27 =	vld [tilespmem:s2+$0x80];
	[tilespmem:v37+s17+$0x0] =	vst.idx.msk $0xffff, v34  }
0x97: {  	[tilespmem:v30+s17+$0x0] =	vst.idx.msk $0xffff, v36;
	v28 =	vld.idx.msk [tilespmem:v4+s22+$0x0], $0xffff  }
0x98: {  	v30 =	vor.u32 $0x280, v6;
	v32 =	vld [tilespmem:s5+$0x0];
	[tilespmem:v12+s17+$0x0] =	vst.idx.msk $0xffff, v33;
	v12 =	vmov v29  }
0x99: {  	v13 =	vld [tilespmem:s5+$0xFFFFFF00];
	[tilespmem:v11+s17+$0x0] =	vst.idx.msk $0xffff, v35;
	v11 =	vmov v26  }
0x9a: {  	v26 =	vld [tilespmem:s2+$0xFFFFFF00];
	[tilespmem:v7+s17+$0x0] =	vst.idx.msk $0xffff, v16;
	v7 =	vmov v8;
	v8 =	vmov v24  }
0x9b: {  	v16 =	vld [tilespmem:s2+$0xFFFFFF80];
	v24 =	vshll.u32 v27, $0x3;
	[tilespmem:v9+s17+$0x0] =	vst.idx.msk $0xffff, v23;
	v9 =	vmov v10;
	v10 =	vmov v25  }
0x9c: {  	v25 =	vand.u32 $0x7F, v27;
	v23 =	vld.idx.msk [tilespmem:v38+s1+$0x0], $0xffff;
	v24 =	vand.u32 $0xFFFFFC00, v24  }
0x9d: {  	v27 =	vld [tilespmem:s2+$0x0];
	v24 =	vor.u32 v25, v24;
	[tilespmem:v30+s17+$0x0] =	vst.idx.msk $0xffff, v28  }
0x9e: {  	v25 =	vld.idx.msk [tilespmem:v4+s23+$0x0], $0xffff  }
0x9f: {  	v30 =	vor.u32 $0x300, v6;
	v28 =	vand.u32 $0x7F, v26;
	v26 =	vshll.u32 v26, $0x3;
	v29 =	vld.idx.msk [tilespmem:v31+s1+$0x0], $0xffff  }
0xa0: {  	v26 =	vand.u32 $0xFFFFFC00, v26;
	v33 =	vand.u32 $0x7F, v16;
	v16 =	vshll.u32 v16, $0x3;
	v34 =	vld.idx.msk [tilespmem:v32+s1+$0x0], $0xffff  }
0xa1: {  	v35 =	vld.idx.msk [tilespmem:v13+s1+$0x0], $0xffff;
	v26 =	vor.u32 v28, v26;
	v16 =	vand.u32 $0xFFFFFC00, v16  }
0xa2: {  	v33 =	vor.u32 v33, v16;
	v16 =	vand.u32 $0x7F, v27;
	v27 =	vshll.u32 v27, $0x3;
	[tilespmem:v24+s17+$0x0] =	vst.idx.msk $0xffff, v23;
	v23 =	vld.idx.msk [tilespmem:v5+s21+$0x0], $0xffff  }
0xa3: {  	v36 =	vor.u32 $0x80, v26;
	v37 =	vor.u32 $0x80, v33;
	v27 =	vand.u32 $0xFFFFFC00, v27;
	v39 =	vld.idx.msk [tilespmem:v38+s19+$0x0], $0xffff  }
0xa4: {  	v42 =	vor.u32 $0x80, v24;
	v40 =	vor.u32 $0x100, v26;
	v41 =	vor.u32 v16, v27;
	v43 =	vld.idx.msk [tilespmem:v3+s21+$0x0], $0xffff;
	[tilespmem:v30+s17+$0x0] =	vst.idx.msk $0xffff, v25  }
0xa5: {  	v44 =	vor.u32 $0x100, v33;
	v45 =	vor.u32 $0x80, v41;
	v46 =	vor.u32 $0x100, v41;
	v47 =	vld.idx.msk [tilespmem:v4+s24+$0x0], $0xffff;
	v4 =	vmovc v38  }
0xa6: {  	v48 =	vor.u32 $0x380, v6;
	v6 =	vmovc v24;
	v28 =	vor.u32 $0x180, v26;
	v27 =	vor.u32 $0x180, v33;
	v38 =	vld.idx.msk [tilespmem:v2+s21+$0x0], $0xffff  }
0xa7: {  	v49 =	vor.u32 $0x200, v33;
	v30 =	vor.u32 $0x180, v41;
	[tilespmem:v26+s17+$0x0] =	vst.idx.msk $0xffff, v35;
	v35 =	vor.u32 $0x200, v26;
	v16 =	vld.idx.msk [tilespmem:v0+s24+$0x0], $0xffff;
	v0 =	vmovc v3  }
0xa8: {  	v51 =	vor.u32 $0x280, v26;
	v52 =	vor.u32 $0x280, v33;
	v53 =	vor.u32 $0x200, v41;
	v3 =	vmovc v31;
	v50 =	vld.idx.msk [tilespmem:v13+s19+$0x0], $0xffff;
	[tilespmem:v33+s17+$0x0] =	vst.idx.msk $0xffff, v29  }
0xa9: {  	v54 =	vor.u32 $0x300, v26;
	v55 =	vor.u32 $0x300, v33;
	v56 =	vor.u32 $0x280, v41;
	v31 =	vld.idx.msk [tilespmem:v31+s19+$0x0], $0xffff;
	[tilespmem:v42+s17+$0x0] =	vst.idx.msk $0xffff, v39  }
0xaa: {  	v24 =	vor.u32 $0x380, v33;
	v26 =	vor.u32 $0x380, v26;
	v29 =	vor.u32 $0x300, v41;
	[tilespmem:v41+s17+$0x0] =	vst.idx.msk $0xffff, v34;
	v33 =	vld.idx.msk [tilespmem:v4+s12+$0x0], $0xffff  }
0xab: {  	v25 =	vor.u32 $0x380, v41;
	v39 =	vor.u32 $0x100, v6;
	v34 =	vld.idx.msk [tilespmem:v32+s19+$0x0], $0xffff;
	[tilespmem:v48+s17+$0x0] =	vst.idx.msk $0xffff, v47  }
0xac: {  	[tilespmem:v21+s17+$0x0] =	vst.idx.msk $0xffff, v23;
	v23 =	vld.idx.msk [tilespmem:v1+s24+$0x0], $0xffff;
	v1 =	vmov v2;
	v2 =	vmov v32;
	v21 =	vmov v35  }
0xad: {  	v32 =	vld.idx.msk [tilespmem:v5+s22+$0x0], $0xffff;
	[tilespmem:v19+s17+$0x0] =	vst.idx.msk $0xffff, v43;
	v19 =	vmov v49  }
0xae: {  	[tilespmem:v36+s17+$0x0] =	vst.idx.msk $0xffff, v50;
	v35 =	vld.idx.msk [tilespmem:v0+s22+$0x0], $0xffff  }
0xaf: {  	v36 =	vld.idx.msk [tilespmem:v13+s12+$0x0], $0xffff;
	[tilespmem:v37+s17+$0x0] =	vst.idx.msk $0xffff, v31  }
0xb0: {  	v37 =	vld.idx.msk [tilespmem:v3+s12+$0x0], $0xffff;
	[tilespmem:v39+s17+$0x0] =	vst.idx.msk $0xffff, v33  }
0xb1: {  	[tilespmem:v45+s17+$0x0] =	vst.idx.msk $0xffff, v34;
	v33 =	vld.idx.msk [tilespmem:v4+s20+$0x0], $0xffff  }
0xb2: {  	v39 =	vor.u32 $0x180, v6;
	v34 =	vld.idx.msk [tilespmem:v2+s12+$0x0], $0xffff;
	[tilespmem:v22+s17+$0x0] =	vst.idx.msk $0xffff, v38;
	v22 =	vmov v53  }
0xb3: {  	[tilespmem:v18+s17+$0x0] =	vst.idx.msk $0xffff, v32;
	v38 =	vld.idx.msk [tilespmem:v1+s22+$0x0], $0xffff;
	v18 =	vmov v51  }
0xb4: {  	v41 =	vld.idx.msk [tilespmem:v5+s23+$0x0], $0xffff;
	[tilespmem:v17+s17+$0x0] =	vst.idx.msk $0xffff, v35;
	v17 =	vmov v52  }
0xb5: {  	[tilespmem:v40+s17+$0x0] =	vst.idx.msk $0xffff, v36;
	v40 =	vld.idx.msk [tilespmem:v0+s23+$0x0], $0xffff  }
0xb6: {  	v31 =	vld.idx.msk [tilespmem:v13+s20+$0x0], $0xffff;
	[tilespmem:v44+s17+$0x0] =	vst.idx.msk $0xffff, v37  }
.Ltmp0:
0xb7: {  	v32 =	vld.idx.msk [tilespmem:v3+s20+$0x0], $0xffff;
	[tilespmem:v39+s17+$0x0] =	vst.idx.msk $0xffff, v33;
	(pc) =	sbr.rel @p0 .LBB2_2-.Ltmp0, $4  }
0xb8: {  	[tilespmem:v46+s17+$0x0] =	vst.idx.msk $0xffff, v34;
	v34 =	vld.idx.msk [tilespmem:v4+s21+$0x0], $0xffff  }
0xb9: {  	v37 =	vor.u32 $0x200, v6;
	v36 =	vld.idx.msk [tilespmem:v2+s20+$0x0], $0xffff;
	[tilespmem:v20+s17+$0x0] =	vst.idx.msk $0xffff, v38;
	v20 =	vmov v56  }
0xba: {  	[tilespmem:v15+s17+$0x0] =	vst.idx.msk $0xffff, v41;
	v33 =	vld.idx.msk [tilespmem:v1+s23+$0x0], $0xffff;
	v15 =	vmov v54  }
0xbb: {  	s5 =	sadd.s32 $0x200, s5;
	v35 =	vld.idx.msk [tilespmem:v5+s24+$0x0], $0xffff;
	[tilespmem:v14+s17+$0x0] =	vst.idx.msk $0xffff, v40;
	v5 =	vmov v13;
	v14 =	vmov v55  }
0xbc: {  	_ =	sdelay $0x3  }
0xbd: {  	[tilespmem:v28+s17+$0x0] =	vst.idx.msk $0xffff, v31  }
0xbe: {  	[tilespmem:v27+s17+$0x0] =	vst.idx.msk $0xffff, v32;
	v13 =	vld.idx.msk [tilespmem:v5+s21+$0x0], $0xffff  }
0xbf: {  	v27 =	vld.idx.msk [tilespmem:v3+s21+$0x0], $0xffff;
	[tilespmem:v30+s17+$0x0] =	vst.idx.msk $0xffff, v36  }
0xc0: {  	v28 =	vld.idx.msk [tilespmem:v2+s21+$0x0], $0xffff;
	_ =	sdelay $0x1  }
0xc1: {  	[tilespmem:v37+s17+$0x0] =	vst.idx.msk $0xffff, v34  }
0xc2: {  	v31 =	vor.u32 $0x280, v6;
	v30 =	vld.idx.msk [tilespmem:v4+s22+$0x0], $0xffff;
	[tilespmem:v21+s17+$0x0] =	vst.idx.msk $0xffff, v13  }
0xc3: {  	[tilespmem:v19+s17+$0x0] =	vst.idx.msk $0xffff, v27;
	v13 =	vld.idx.msk [tilespmem:v5+s22+$0x0], $0xffff  }
0xc4: {  	v19 =	vld.idx.msk [tilespmem:v3+s22+$0x0], $0xffff;
	[tilespmem:v22+s17+$0x0] =	vst.idx.msk $0xffff, v28  }
0xc5: {  	[tilespmem:v12+s17+$0x0] =	vst.idx.msk $0xffff, v33;
	v21 =	vld.idx.msk [tilespmem:v2+s22+$0x0], $0xffff  }
0xc6: {  	[tilespmem:v11+s17+$0x0] =	vst.idx.msk $0xffff, v35  }
0xc7: {  	[tilespmem:v31+s17+$0x0] =	vst.idx.msk $0xffff, v30  }
0xc8: {  	v27 =	vor.u32 $0x300, v6;
	v22 =	vld.idx.msk [tilespmem:v4+s23+$0x0], $0xffff;
	[tilespmem:v18+s17+$0x0] =	vst.idx.msk $0xffff, v13  }
0xc9: {  	[tilespmem:v17+s17+$0x0] =	vst.idx.msk $0xffff, v19;
	v12 =	vld.idx.msk [tilespmem:v5+s23+$0x0], $0xffff  }
0xca: {  	v11 =	vld.idx.msk [tilespmem:v3+s23+$0x0], $0xffff;
	[tilespmem:v20+s17+$0x0] =	vst.idx.msk $0xffff, v21  }
0xcb: {  	[tilespmem:v7+s17+$0x0] =	vst.idx.msk $0xffff, v16;
	v13 =	vld.idx.msk [tilespmem:v2+s23+$0x0], $0xffff  }
0xcc: {  	[tilespmem:v9+s17+$0x0] =	vst.idx.msk $0xffff, v23;
	v0 =	vld.idx.msk [tilespmem:v0+s24+$0x0], $0xffff  }
0xcd: {  	v1 =	vld.idx.msk [tilespmem:v1+s24+$0x0], $0xffff;
	[tilespmem:v27+s17+$0x0] =	vst.idx.msk $0xffff, v22  }
0xce: {  	v6 =	vor.u32 $0x380, v6;
	v4 =	vld.idx.msk [tilespmem:v4+s24+$0x0], $0xffff;
	[tilespmem:v15+s17+$0x0] =	vst.idx.msk $0xffff, v12  }
0xcf: {  	[tilespmem:v14+s17+$0x0] =	vst.idx.msk $0xffff, v11;
	v5 =	vld.idx.msk [tilespmem:v5+s24+$0x0], $0xffff  }
0xd0: {  	v3 =	vld.idx.msk [tilespmem:v3+s24+$0x0], $0xffff;
	[tilespmem:v29+s17+$0x0] =	vst.idx.msk $0xffff, v13  }
0xd1: {  	[tilespmem:v8+s17+$0x0] =	vst.idx.msk $0xffff, v0;
	v2 =	vld.idx.msk [tilespmem:v2+s24+$0x0], $0xffff  }
0xd2: {  	[tilespmem:v10+s17+$0x0] =	vst.idx.msk $0xffff, v1  }
0xd3: {  	[tilespmem:v6+s17+$0x0] =	vst.idx.msk $0xffff, v4  }
0xd4: {  	[tilespmem:v26+s17+$0x0] =	vst.idx.msk $0xffff, v5  }
0xd5: {  	[tilespmem:v24+s17+$0x0] =	vst.idx.msk $0xffff, v3  }
0xd6: {  	[tilespmem:v25+s17+$0x0] =	vst.idx.msk $0xffff, v2  }
0xd7: {  	s13 =	simm.s32 $0x8100;
	s2 =	rddreg [dreg:$0x8]  }
0xd8: {  	[hbm4b:s2+s1] =	stream.linear.scatter [tilespmem:s17], [sflag:$0x1], $0x8000, $0x38;
	[tilespmem:$0x1D800] =	vst v63  }
0xd9: {  	s3 =	simm.s32 $0xAD00;
	v3 =	vld [tilespmem:s13+$0x80]  }
0xda: {  	v0 =	vld [tilespmem:s3+$0x80];
	_ =	sdelay $0x3  }
0xdb: {  	v2 =	vld [tilespmem:s13+$0xFFFFFF00]  }
0xdc: {  	v1 =	vld [tilespmem:s3+$0xFFFFFF00];
	v4 =	vshll.u32 v0, $0x3  }
0xdd: {  	v6 =	vld [tilespmem:s3+$0xFFFFFF80];
	v0 =	vand.u32 $0x7F, v0;
	v4 =	vand.u32 $0xFFFFFC00, v4  }
0xde: {  	v5 =	vor.u32 v0, v4;
	v8 =	vld.idx.msk [tilespmem:v3+s25+$0x0], $0xffff  }
0xdf: {  	v10 =	vld [tilespmem:s13+$0xFFFFFF80];
	_ =	sdelay $0x1  }
0xe0: {  	v7 =	vld [tilespmem:s13+$0x0]  }
0xe1: {  	v9 =	vand.u32 $0x7F, v6;
	v0 =	vld [tilespmem:s3+$0x0];
	v4 =	vshll.u32 v1, $0x3  }
0xe2: {  	v6 =	vshll.u32 v6, $0x3;
	v1 =	vand.u32 $0x7F, v1;
	v4 =	vand.u32 $0xFFFFFC00, v4;
	[tilespmem:v5+s18+$0x0] =	vst.idx.msk $0xffff, v8  }
0xe3: {  	v13 =	vor.u32 $0x80, v5;
	v11 =	vor.u32 v1, v4;
	v1 =	vand.u32 $0xFFFFFC00, v6;
	v6 =	vld.idx.msk [tilespmem:v3+s26+$0x0], $0xffff  }
0xe4: {  	s14 =	simm.s32 $0x8300;
	v12 =	vld.idx.msk [tilespmem:v2+s25+$0x0], $0xffff  }
0xe5: {  	v16 =	vld [tilespmem:s14+$0x80]  }
0xe6: {  	s15 =	simm.s32 $0xAF00;
	v14 =	vld.idx.msk [tilespmem:v10+s25+$0x0], $0xffff;
	v4 =	vshll.u32 v0, $0x3;
	v8 =	vor.u32 v9, v1  }
0xe7: {  	v20 =	vld [tilespmem:s15+$0xFFFFFF80];
	v0 =	vand.u32 $0x7F, v0;
	v1 =	vand.u32 $0xFFFFFC00, v4  }
0xe8: {  	v4 =	vld.idx.msk [tilespmem:v7+s25+$0x0], $0xffff;
	v9 =	vor.u32 v0, v1;
	[tilespmem:v13+s18+$0x0] =	vst.idx.msk $0xffff, v6  }
0xe9: {  	[tilespmem:v11+s18+$0x0] =	vst.idx.msk $0xffff, v12;
	v12 =	vor.u32 $0x100, v5;
	v6 =	vld.idx.msk [tilespmem:v3+s28+$0x0], $0xffff  }
0xea: {  	v0 =	vor.u32 $0x80, v11;
	v1 =	vld.idx.msk [tilespmem:v2+s26+$0x0], $0xffff  }
0xeb: {  	v23 =	vld [tilespmem:s15+$0x0];
	[tilespmem:v8+s18+$0x0] =	vst.idx.msk $0xffff, v14  }
0xec: {  	s2 =	simm.s32 $0xB100;
	v13 =	vor.u32 $0x80, v8;
	v14 =	vld.idx.msk [tilespmem:v10+s26+$0x0], $0xffff  }
0xed: {  	v29 =	vld [tilespmem:s2+$0xFFFFFF00];
	[tilespmem:v9+s18+$0x0] =	vst.idx.msk $0xffff, v4  }
0xee: {  	v4 =	vor.u32 $0x80, v9;
	v15 =	vld.idx.msk [tilespmem:v7+s26+$0x0], $0xffff;
	[tilespmem:v12+s18+$0x0] =	vst.idx.msk $0xffff, v6  }
0xef: {  	[tilespmem:v0+s18+$0x0] =	vst.idx.msk $0xffff, v1;
	v12 =	vor.u32 $0x180, v5;
	v6 =	vld.idx.msk [tilespmem:v3+s29+$0x0], $0xffff  }
0xf0: {  	v0 =	vor.u32 $0x100, v11;
	v1 =	vld.idx.msk [tilespmem:v2+s28+$0x0], $0xffff  }
0xf1: {  	v31 =	vld [tilespmem:s2+$0xFFFFFF80];
	[tilespmem:v13+s18+$0x0] =	vst.idx.msk $0xffff, v14  }
0xf2: {  	v13 =	vor.u32 $0x100, v8;
	v14 =	vld.idx.msk [tilespmem:v10+s28+$0x0], $0xffff  }
0xf3: {  	v35 =	vld [tilespmem:s2+$0x0];
	[tilespmem:v4+s18+$0x0] =	vst.idx.msk $0xffff, v15  }
0xf4: {  	v4 =	vor.u32 $0x100, v9;
	v15 =	vld.idx.msk [tilespmem:v7+s28+$0x0], $0xffff;
	[tilespmem:v12+s18+$0x0] =	vst.idx.msk $0xffff, v6  }
0xf5: {  	[tilespmem:v0+s18+$0x0] =	vst.idx.msk $0xffff, v1;
	v6 =	vor.u32 $0x200, v5;
	v1 =	vld.idx.msk [tilespmem:v3+s30+$0x0], $0xffff  }
0xf6: {  	v0 =	vld [tilespmem:s14+$0xFFFFFF80]  }
0xf7: {  	[tilespmem:v13+s18+$0x0] =	vst.idx.msk $0xffff, v14;
	v13 =	vld [tilespmem:s14+$0xFFFFFF00]  }
0xf8: {  	v12 =	vld [tilespmem:s15+$0x80]  }
0xf9: {  	[tilespmem:v4+s18+$0x0] =	vst.idx.msk $0xffff, v15;
	v15 =	vld [tilespmem:s15+$0xFFFFFF00]  }
0xfa: {  	[tilespmem:v6+s18+$0x0] =	vst.idx.msk $0xffff, v1;
	v1 =	vld [tilespmem:s14+$0x0]  }
0xfb: {  	v14 =	vor.u32 $0x280, v5;
	v6 =	vld.idx.msk [tilespmem:v3+s31+$0x0], $0xffff  }
0xfc: {  	v22 =	vld.idx.msk [tilespmem:v16+s25+$0x0], $0xffff  }
0xfd: {  	v21 =	vor.u32 $0x180, v11;
	v18 =	vld.idx.msk [tilespmem:v2+s29+$0x0], $0xffff;
	v17 =	vshll.u32 v12, $0x3  }
0xfe: {  	v25 =	vor.u32 $0x180, v9;
	v4 =	vld.idx.msk [tilespmem:v7+s29+$0x0], $0xffff;
	v12 =	vand.u32 $0x7F, v12;
	v17 =	vand.u32 $0xFFFFFC00, v17  }
0xff: {  	v19 =	vld.idx.msk [tilespmem:v10+s29+$0x0], $0xffff;
	v17 =	vor.u32 v12, v17  }
0x100: {  	v27 =	vor.u32 $0x300, v5;
	v26 =	vld.idx.msk [tilespmem:v0+s25+$0x0], $0xffff;
	v12 =	vshll.u32 v15, $0x3;
	[tilespmem:v14+s18+$0x0] =	vst.idx.msk $0xffff, v6;
	v6 =	vor.u32 $0x180, v8  }
0x101: {  	v12 =	vand.u32 $0xFFFFFC00, v12;
	v14 =	vand.u32 $0x7F, v15;
	v15 =	vshll.u32 v20, $0x3;
	v24 =	vld.idx.msk [tilespmem:v3+s0+$0x0], $0xffff  }
0x102: {  	[tilespmem:v21+s18+$0x0] =	vst.idx.msk $0xffff, v18;
	v18 =	vand.u32 $0x7F, v20;
	v20 =	vld.idx.msk [tilespmem:v13+s25+$0x0], $0xffff;
	v12 =	vor.u32 v14, v12;
	v14 =	vand.u32 $0xFFFFFC00, v15  }
0x103: {  	[tilespmem:v25+s18+$0x0] =	vst.idx.msk $0xffff, v4;
	v28 =	vld.idx.msk [tilespmem:v1+s25+$0x0], $0xffff;
	v14 =	vor.u32 v18, v14  }
0x104: {  	[tilespmem:v17+s18+$0x0] =	vst.idx.msk $0xffff, v22;
	v22 =	vor.u32 $0x200, v11;
	v15 =	vshll.u32 v23, $0x3;
	v18 =	vld.idx.msk [tilespmem:v2+s30+$0x0], $0xffff  }
0x105: {  	v21 =	vor.u32 $0x80, v17;
	v15 =	vand.u32 $0xFFFFFC00, v15;
	[tilespmem:v6+s18+$0x0] =	vst.idx.msk $0xffff, v19;
	v6 =	vand.u32 $0x7F, v23;
	v19 =	vld.idx.msk [tilespmem:v16+s26+$0x0], $0xffff  }
0x106: {  	v15 =	vor.u32 v6, v15;
	v6 =	vld.idx.msk [tilespmem:v10+s30+$0x0], $0xffff;
	[tilespmem:v27+s18+$0x0] =	vst.idx.msk $0xffff, v24  }
0x107: {  	[tilespmem:v12+s18+$0x0] =	vst.idx.msk $0xffff, v20;
	v23 =	vld.idx.msk [tilespmem:v3+s4+$0x0], $0xffff;
	v3 =	vor.u32 $0x200, v8  }
0x108: {  	v20 =	vor.u32 $0x80, v12;
	v24 =	vld.idx.msk [tilespmem:v13+s26+$0x0], $0xffff;
	[tilespmem:v14+s18+$0x0] =	vst.idx.msk $0xffff, v26  }
0x109: {  	v4 =	vld.idx.msk [tilespmem:v7+s30+$0x0], $0xffff;
	[tilespmem:v22+s18+$0x0] =	vst.idx.msk $0xffff, v18;
	v18 =	vor.u32 $0x200, v9  }
0x10a: {  	v25 =	vor.u32 $0x80, v14;
	v26 =	vld.idx.msk [tilespmem:v0+s26+$0x0], $0xffff;
	[tilespmem:v21+s18+$0x0] =	vst.idx.msk $0xffff, v19  }
0x10b: {  	v21 =	vor.u32 $0x100, v17;
	[tilespmem:v15+s18+$0x0] =	vst.idx.msk $0xffff, v28;
	v19 =	vld.idx.msk [tilespmem:v16+s28+$0x0], $0xffff  }
0x10c: {  	v27 =	vor.u32 $0x80, v15;
	v28 =	vld.idx.msk [tilespmem:v1+s26+$0x0], $0xffff;
	[tilespmem:v3+s18+$0x0] =	vst.idx.msk $0xffff, v6  }
0x10d: {  	v22 =	vld.idx.msk [tilespmem:v2+s31+$0x0], $0xffff;
	v3 =	vor.u32 $0x280, v11;
	[tilespmem:v20+s18+$0x0] =	vst.idx.msk $0xffff, v24  }
0x10e: {  	[tilespmem:v18+s18+$0x0] =	vst.idx.msk $0xffff, v4;
	v6 =	vld.idx.msk [tilespmem:v10+s31+$0x0], $0xffff  }
0x10f: {  	v20 =	vor.u32 $0x280, v8;
	v24 =	vld.idx.msk [tilespmem:v13+s28+$0x0], $0xffff;
	[tilespmem:v25+s18+$0x0] =	vst.idx.msk $0xffff, v26  }
0x110: {  	v25 =	vor.u32 $0x100, v12;
	v26 =	vld.idx.msk [tilespmem:v0+s28+$0x0], $0xffff;
	[tilespmem:v21+s18+$0x0] =	vst.idx.msk $0xffff, v19  }
0x111: {  	[tilespmem:v27+s18+$0x0] =	vst.idx.msk $0xffff, v28;
	v21 =	vld.idx.msk [tilespmem:v16+s29+$0x0], $0xffff;
	v28 =	vor.u32 $0x180, v17  }
0x112: {  	v19 =	vor.u32 $0x100, v14;
	[tilespmem:v3+s18+$0x0] =	vst.idx.msk $0xffff, v22;
	v3 =	vld.idx.msk [tilespmem:v7+s31+$0x0], $0xffff  }
0x113: {  	v27 =	vld.idx.msk [tilespmem:v1+s28+$0x0], $0xffff  }
0x114: {  	v4 =	vor.u32 $0x100, v15;
	v22 =	vld.idx.msk [tilespmem:v2+s0+$0x0], $0xffff;
	[tilespmem:v20+s18+$0x0] =	vst.idx.msk $0xffff, v6  }
0x115: {  	v6 =	vor.u32 $0x300, v11;
	[tilespmem:v25+s18+$0x0] =	vst.idx.msk $0xffff, v24;
	v20 =	vld.idx.msk [tilespmem:v10+s0+$0x0], $0xffff  }
0x116: {  	v18 =	vor.u32 $0x280, v9;
	v24 =	vld.idx.msk [tilespmem:v13+s29+$0x0], $0xffff;
	[tilespmem:v28+s18+$0x0] =	vst.idx.msk $0xffff, v21  }
0x117: {  	[tilespmem:v19+s18+$0x0] =	vst.idx.msk $0xffff, v26;
	v26 =	vor.u32 $0x200, v17;
	v21 =	vld.idx.msk [tilespmem:v16+s30+$0x0], $0xffff  }
0x118: {  	s16 =	simm.s32 $0x8500;
	v19 =	vld.idx.msk [tilespmem:v0+s29+$0x0], $0xffff  }
0x119: {  	[tilespmem:v4+s18+$0x0] =	vst.idx.msk $0xffff, v27;
	v4 =	vld [tilespmem:s16+$0x80]  }
0x11a: {  	[tilespmem:v6+s18+$0x0] =	vst.idx.msk $0xffff, v22;
	v6 =	vld [tilespmem:s2+$0x80]  }
0x11b: {  	v30 =	vor.u32 $0x180, v12;
	[tilespmem:v18+s18+$0x0] =	vst.idx.msk $0xffff, v3;
	v3 =	vld [tilespmem:s16+$0xFFFFFF80]  }
0x11c: {  	v62 =	vor.u32 $0x180, v14;
	v18 =	vld.idx.msk [tilespmem:v7+s0+$0x0], $0xffff;
	[tilespmem:v26+s18+$0x0] =	vst.idx.msk $0xffff, v21  }
0x11d: {  	v26 =	vor.u32 $0x280, v17;
	v21 =	vld.idx.msk [tilespmem:v16+s31+$0x0], $0xffff  }
0x11e: {  	v27 =	vor.u32 $0x380, v5;
	v5 =	vld [tilespmem:s16+$0xFFFFFF00]  }
0x11f: {  	v11 =	vor.u32 $0x380, v11;
	v28 =	vor.u32 $0x300, v8;
	v25 =	vld.idx.msk [tilespmem:v1+s29+$0x0], $0xffff;
	v61 =	vshll.u32 v6, $0x3  }
0x120: {  	v22 =	vld.idx.msk [tilespmem:v2+s4+$0x0], $0xffff;
	[tilespmem:v30+s18+$0x0] =	vst.idx.msk $0xffff, v24;
	v24 =	vshll.u32 v29, $0x3;
	v6 =	vand.u32 $0x7F, v6;
	v32 =	vand.u32 $0xFFFFFC00, v61  }
0x121: {  	v24 =	vand.u32 $0xFFFFFC00, v24;
	[tilespmem:v62+s18+$0x0] =	vst.idx.msk $0xffff, v19;
	v6 =	vor.u32 v6, v32;
	v34 =	vld.idx.msk [tilespmem:v4+s25+$0x0], $0xffff  }
0x122: {  	v2 =	vld [tilespmem:s16+$0x0];
	v19 =	vand.u32 $0x7F, v29;
	v29 =	vshll.u32 v31, $0x3;
	[tilespmem:v26+s18+$0x0] =	vst.idx.msk $0xffff, v21;
	v21 =	vor.u32 $0x180, v15  }
0x123: {  	[tilespmem:v27+s18+$0x0] =	vst.idx.msk $0xffff, v23;
	v27 =	vor.u32 $0x300, v9;
	v24 =	vor.u32 v19, v24;
	v19 =	vand.u32 $0xFFFFFC00, v29;
	v29 =	vld.idx.msk [tilespmem:v13+s30+$0x0], $0xffff  }
0x124: {  	[tilespmem:v28+s18+$0x0] =	vst.idx.msk $0xffff, v20;
	v26 =	vor.u32 $0x300, v17;
	v23 =	vld.idx.msk [tilespmem:v16+s0+$0x0], $0xffff  }
0x125: {  	[tilespmem:v11+s18+$0x0] =	vst.idx.msk $0xffff, v22;
	v20 =	vld.idx.msk [tilespmem:v3+s25+$0x0], $0xffff  }
0x126: {  	v31 =	vand.u32 $0x7F, v31;
	v30 =	vld.idx.msk [tilespmem:v5+s25+$0x0], $0xffff;
	[tilespmem:v6+s18+$0x0] =	vst.idx.msk $0xffff, v34  }
0x127: {  	[tilespmem:v21+s18+$0x0] =	vst.idx.msk $0xffff, v25;
	v25 =	vor.u32 v31, v19;
	v21 =	vld.idx.msk [tilespmem:v4+s26+$0x0], $0xffff  }
0x128: {  	v32 =	vor.u32 $0x80, v6;
	[tilespmem:v27+s18+$0x0] =	vst.idx.msk $0xffff, v18;
	v19 =	vshll.u32 v35, $0x3;
	v11 =	vld.idx.msk [tilespmem:v1+s30+$0x0], $0xffff  }
0x129: {  	v31 =	vand.u32 $0x7F, v35;
	v19 =	vand.u32 $0xFFFFFC00, v19;
	[tilespmem:v26+s18+$0x0] =	vst.idx.msk $0xffff, v23;
	v23 =	vld.idx.msk [tilespmem:v7+s4+$0x0], $0xffff;
	v7 =	vor.u32 $0x200, v15  }
0x12a: {  	v28 =	vld.idx.msk [tilespmem:v2+s25+$0x0], $0xffff;
	v35 =	vor.u32 v31, v19  }
0x12b: {  	v17 =	vor.u32 $0x380, v17;
	[tilespmem:v24+s18+$0x0] =	vst.idx.msk $0xffff, v30;
	v18 =	vld.idx.msk [tilespmem:v16+s4+$0x0], $0xffff  }
0x12c: {  	v33 =	vld.idx.msk [tilespmem:v0+s30+$0x0], $0xffff;
	v19 =	vor.u32 $0x200, v12;
	[tilespmem:v25+s18+$0x0] =	vst.idx.msk $0xffff, v20  }
0x12d: {  	v16 =	vld.idx.msk [tilespmem:v10+s4+$0x0], $0xffff;
	v10 =	vor.u32 $0x200, v14;
	[tilespmem:v32+s18+$0x0] =	vst.idx.msk $0xffff, v21  }
0x12e: {  	v22 =	vld.idx.msk [tilespmem:v5+s26+$0x0], $0xffff;
	v20 =	vor.u32 $0x80, v24;
	[tilespmem:v7+s18+$0x0] =	vst.idx.msk $0xffff, v11  }
0x12f: {  	v21 =	vor.u32 $0x80, v25;
	v26 =	vld.idx.msk [tilespmem:v3+s26+$0x0], $0xffff;
	[tilespmem:v35+s18+$0x0] =	vst.idx.msk $0xffff, v28  }
0x130: {  	v30 =	vor.u32 $0x100, v6;
	v27 =	vld.idx.msk [tilespmem:v4+s28+$0x0], $0xffff;
	[tilespmem:v17+s18+$0x0] =	vst.idx.msk $0xffff, v18  }
0x131: {  	v39 =	vor.u32 $0x280, v15;
	[tilespmem:v19+s18+$0x0] =	vst.idx.msk $0xffff, v29;
	v37 =	vld.idx.msk [tilespmem:v1+s31+$0x0], $0xffff  }
0x132: {  	v17 =	vor.u32 $0x80, v35;
	[tilespmem:v10+s18+$0x0] =	vst.idx.msk $0xffff, v33;
	v28 =	vld.idx.msk [tilespmem:v2+s26+$0x0], $0xffff  }
0x133: {  	v18 =	vld.idx.msk [tilespmem:v13+s31+$0x0], $0xffff;
	[tilespmem:v20+s18+$0x0] =	vst.idx.msk $0xffff, v22  }
0x134: {  	v10 =	vor.u32 $0x280, v12;
	v19 =	vld.idx.msk [tilespmem:v0+s31+$0x0], $0xffff;
	[tilespmem:v21+s18+$0x0] =	vst.idx.msk $0xffff, v26  }
0x135: {  	v20 =	vor.u32 $0x280, v14;
	v22 =	vld.idx.msk [tilespmem:v5+s28+$0x0], $0xffff;
	[tilespmem:v30+s18+$0x0] =	vst.idx.msk $0xffff, v27  }
0x136: {  	v21 =	vor.u32 $0x100, v24;
	v26 =	vld.idx.msk [tilespmem:v3+s28+$0x0], $0xffff;
	[tilespmem:v39+s18+$0x0] =	vst.idx.msk $0xffff, v37  }
0x137: {  	v27 =	vor.u32 $0x100, v25;
	[tilespmem:v17+s18+$0x0] =	vst.idx.msk $0xffff, v28;
	v17 =	vld.idx.msk [tilespmem:v4+s29+$0x0], $0xffff  }
0x138: {  	v38 =	vor.u32 $0x300, v12;
	v30 =	vor.u32 $0x180, v6;
	v33 =	vld.idx.msk [tilespmem:v1+s0+$0x0], $0xffff  }
0x139: {  	v41 =	vor.u32 $0x300, v14;
	v9 =	vor.u32 $0x380, v9;
	v63 =	vor.u32 $0x100, v35;
	[tilespmem:v10+s18+$0x0] =	vst.idx.msk $0xffff, v18;
	v29 =	vld.idx.msk [tilespmem:v2+s28+$0x0], $0xffff  }
0x13a: {  	v7 =	vor.u32 $0x380, v8;
	v11 =	vor.u32 $0x380, v12;
	v8 =	vor.u32 $0x380, v14;
	v40 =	vld.idx.msk [tilespmem:v13+s0+$0x0], $0xffff;
	[tilespmem:v20+s18+$0x0] =	vst.idx.msk $0xffff, v19  }
0x13b: {  	v12 =	vor.u32 $0x300, v15;
	v14 =	vor.u32 $0x300, v25;
	v37 =	vor.u32 $0x200, v6;
	[tilespmem:v21+s18+$0x0] =	vst.idx.msk $0xffff, v22;
	v42 =	vld.idx.msk [tilespmem:v0+s0+$0x0], $0xffff  }
0x13c: {  	v10 =	vor.u32 $0x380, v15;
	v28 =	vor.u32 $0x180, v24;
	v18 =	vor.u32 $0x280, v24;
	v31 =	vld.idx.msk [tilespmem:v5+s29+$0x0], $0xffff;
	[tilespmem:v27+s18+$0x0] =	vst.idx.msk $0xffff, v26  }
0x13d: {  	v15 =	vor.u32 $0x300, v24;
	v19 =	vor.u32 $0x200, v25;
	v27 =	vor.u32 $0x180, v25;
	v32 =	vld.idx.msk [tilespmem:v3+s29+$0x0], $0xffff;
	[tilespmem:v30+s18+$0x0] =	vst.idx.msk $0xffff, v17  }
0x13e: {  	v20 =	vor.u32 $0x280, v35;
	v21 =	vor.u32 $0x200, v24;
	v22 =	vor.u32 $0x200, v35;
	[tilespmem:v63+s18+$0x0] =	vst.idx.msk $0xffff, v29;
	v34 =	vld.idx.msk [tilespmem:v4+s30+$0x0], $0xffff  }
0x13f: {  	v26 =	vor.u32 $0x380, v24;
	v24 =	vor.u32 $0x380, v25;
	v30 =	vor.u32 $0x180, v35;
	[tilespmem:v38+s18+$0x0] =	vst.idx.msk $0xffff, v40;
	v36 =	vld.idx.msk [tilespmem:v2+s29+$0x0], $0xffff  }
0x140: {  	s5 =	simm.s32 $0x8700;
	s3 =	simm.s32 $0x8;
	v17 =	vor.u32 $0x280, v25;
	v25 =	vor.u32 $0x380, v35;
	v29 =	vor.u32 $0x300, v35;
	v35 =	vld.idx.msk [tilespmem:v13+s4+$0x0], $0xffff;
	[tilespmem:v41+s18+$0x0] =	vst.idx.msk $0xffff, v42  }
.LBB2_4:
0x141: {  	v38 =	vld [tilespmem:s5+$0x80];
	s3 =	sadd.s32 $0x4, s3;
	[tilespmem:v28+s18+$0x0] =	vst.idx.msk $0xffff, v31  }
0x142: {  	s2 =	sadd.s32 $0x200, s2;
	v31 =	vld [tilespmem:s5+$0xFFFFFF80];
	p0 =	slt.u32 s3, $0x50;
	[tilespmem:v27+s18+$0x0] =	vst.idx.msk $0xffff, v32  }
0x143: {  	v27 =	vld [tilespmem:s2+$0x80];
	[tilespmem:v37+s18+$0x0] =	vst.idx.msk $0xffff, v34  }
0x144: {  	[tilespmem:v30+s18+$0x0] =	vst.idx.msk $0xffff, v36;
	v28 =	vld.idx.msk [tilespmem:v4+s31+$0x0], $0xffff  }
0x145: {  	v30 =	vor.u32 $0x280, v6;
	v32 =	vld [tilespmem:s5+$0x0];
	[tilespmem:v12+s18+$0x0] =	vst.idx.msk $0xffff, v33;
	v12 =	vmov v29  }
0x146: {  	v13 =	vld [tilespmem:s5+$0xFFFFFF00];
	[tilespmem:v11+s18+$0x0] =	vst.idx.msk $0xffff, v35;
	v11 =	vmov v26  }
0x147: {  	v26 =	vld [tilespmem:s2+$0xFFFFFF00];
	[tilespmem:v7+s18+$0x0] =	vst.idx.msk $0xffff, v16;
	v7 =	vmov v8;
	v8 =	vmov v24  }
0x148: {  	v16 =	vld [tilespmem:s2+$0xFFFFFF80];
	v24 =	vshll.u32 v27, $0x3;
	[tilespmem:v9+s18+$0x0] =	vst.idx.msk $0xffff, v23;
	v9 =	vmov v10;
	v10 =	vmov v25  }
0x149: {  	v25 =	vand.u32 $0x7F, v27;
	v23 =	vld.idx.msk [tilespmem:v38+s25+$0x0], $0xffff;
	v24 =	vand.u32 $0xFFFFFC00, v24  }
0x14a: {  	v27 =	vld [tilespmem:s2+$0x0];
	v24 =	vor.u32 v25, v24;
	[tilespmem:v30+s18+$0x0] =	vst.idx.msk $0xffff, v28  }
0x14b: {  	v25 =	vld.idx.msk [tilespmem:v4+s0+$0x0], $0xffff  }
0x14c: {  	v30 =	vor.u32 $0x300, v6;
	v28 =	vand.u32 $0x7F, v26;
	v26 =	vshll.u32 v26, $0x3;
	v29 =	vld.idx.msk [tilespmem:v31+s25+$0x0], $0xffff  }
0x14d: {  	v26 =	vand.u32 $0xFFFFFC00, v26;
	v33 =	vand.u32 $0x7F, v16;
	v16 =	vshll.u32 v16, $0x3;
	v34 =	vld.idx.msk [tilespmem:v32+s25+$0x0], $0xffff  }
0x14e: {  	v35 =	vld.idx.msk [tilespmem:v13+s25+$0x0], $0xffff;
	v26 =	vor.u32 v28, v26;
	v16 =	vand.u32 $0xFFFFFC00, v16  }
0x14f: {  	v33 =	vor.u32 v33, v16;
	v16 =	vand.u32 $0x7F, v27;
	v27 =	vshll.u32 v27, $0x3;
	[tilespmem:v24+s18+$0x0] =	vst.idx.msk $0xffff, v23;
	v23 =	vld.idx.msk [tilespmem:v5+s30+$0x0], $0xffff  }
0x150: {  	v36 =	vor.u32 $0x80, v26;
	v37 =	vor.u32 $0x80, v33;
	v27 =	vand.u32 $0xFFFFFC00, v27;
	v39 =	vld.idx.msk [tilespmem:v38+s26+$0x0], $0xffff  }
0x151: {  	v42 =	vor.u32 $0x80, v24;
	v40 =	vor.u32 $0x100, v26;
	v41 =	vor.u32 v16, v27;
	v43 =	vld.idx.msk [tilespmem:v3+s30+$0x0], $0xffff;
	[tilespmem:v30+s18+$0x0] =	vst.idx.msk $0xffff, v25  }
0x152: {  	v44 =	vor.u32 $0x100, v33;
	v45 =	vor.u32 $0x80, v41;
	v46 =	vor.u32 $0x100, v41;
	v47 =	vld.idx.msk [tilespmem:v4+s4+$0x0], $0xffff;
	v4 =	vmovc v38  }
0x153: {  	v48 =	vor.u32 $0x380, v6;
	v6 =	vmovc v24;
	v28 =	vor.u32 $0x180, v26;
	v27 =	vor.u32 $0x180, v33;
	v38 =	vld.idx.msk [tilespmem:v2+s30+$0x0], $0xffff  }
0x154: {  	v49 =	vor.u32 $0x200, v33;
	v30 =	vor.u32 $0x180, v41;
	[tilespmem:v26+s18+$0x0] =	vst.idx.msk $0xffff, v35;
	v35 =	vor.u32 $0x200, v26;
	v16 =	vld.idx.msk [tilespmem:v0+s4+$0x0], $0xffff;
	v0 =	vmovc v3  }
0x155: {  	v51 =	vor.u32 $0x280, v26;
	v52 =	vor.u32 $0x280, v33;
	v53 =	vor.u32 $0x200, v41;
	v3 =	vmovc v31;
	v50 =	vld.idx.msk [tilespmem:v13+s26+$0x0], $0xffff;
	[tilespmem:v33+s18+$0x0] =	vst.idx.msk $0xffff, v29  }
0x156: {  	v54 =	vor.u32 $0x300, v26;
	v55 =	vor.u32 $0x300, v33;
	v56 =	vor.u32 $0x280, v41;
	v31 =	vld.idx.msk [tilespmem:v31+s26+$0x0], $0xffff;
	[tilespmem:v42+s18+$0x0] =	vst.idx.msk $0xffff, v39  }
0x157: {  	v24 =	vor.u32 $0x380, v33;
	v26 =	vor.u32 $0x380, v26;
	v29 =	vor.u32 $0x300, v41;
	[tilespmem:v41+s18+$0x0] =	vst.idx.msk $0xffff, v34;
	v33 =	vld.idx.msk [tilespmem:v4+s28+$0x0], $0xffff  }
0x158: {  	v25 =	vor.u32 $0x380, v41;
	v39 =	vor.u32 $0x100, v6;
	v34 =	vld.idx.msk [tilespmem:v32+s26+$0x0], $0xffff;
	[tilespmem:v48+s18+$0x0] =	vst.idx.msk $0xffff, v47  }
0x159: {  	[tilespmem:v21+s18+$0x0] =	vst.idx.msk $0xffff, v23;
	v23 =	vld.idx.msk [tilespmem:v1+s4+$0x0], $0xffff;
	v1 =	vmov v2;
	v2 =	vmov v32;
	v21 =	vmov v35  }
0x15a: {  	v32 =	vld.idx.msk [tilespmem:v5+s31+$0x0], $0xffff;
	[tilespmem:v19+s18+$0x0] =	vst.idx.msk $0xffff, v43;
	v19 =	vmov v49  }
0x15b: {  	[tilespmem:v36+s18+$0x0] =	vst.idx.msk $0xffff, v50;
	v35 =	vld.idx.msk [tilespmem:v0+s31+$0x0], $0xffff  }
0x15c: {  	v36 =	vld.idx.msk [tilespmem:v13+s28+$0x0], $0xffff;
	[tilespmem:v37+s18+$0x0] =	vst.idx.msk $0xffff, v31  }
0x15d: {  	v37 =	vld.idx.msk [tilespmem:v3+s28+$0x0], $0xffff;
	[tilespmem:v39+s18+$0x0] =	vst.idx.msk $0xffff, v33  }
0x15e: {  	[tilespmem:v45+s18+$0x0] =	vst.idx.msk $0xffff, v34;
	v33 =	vld.idx.msk [tilespmem:v4+s29+$0x0], $0xffff  }
0x15f: {  	v39 =	vor.u32 $0x180, v6;
	v34 =	vld.idx.msk [tilespmem:v2+s28+$0x0], $0xffff;
	[tilespmem:v22+s18+$0x0] =	vst.idx.msk $0xffff, v38;
	v22 =	vmov v53  }
0x160: {  	[tilespmem:v18+s18+$0x0] =	vst.idx.msk $0xffff, v32;
	v38 =	vld.idx.msk [tilespmem:v1+s31+$0x0], $0xffff;
	v18 =	vmov v51  }
0x161: {  	v41 =	vld.idx.msk [tilespmem:v5+s0+$0x0], $0xffff;
	[tilespmem:v17+s18+$0x0] =	vst.idx.msk $0xffff, v35;
	v17 =	vmov v52  }
0x162: {  	[tilespmem:v40+s18+$0x0] =	vst.idx.msk $0xffff, v36;
	v40 =	vld.idx.msk [tilespmem:v0+s0+$0x0], $0xffff  }
0x163: {  	v31 =	vld.idx.msk [tilespmem:v13+s29+$0x0], $0xffff;
	[tilespmem:v44+s18+$0x0] =	vst.idx.msk $0xffff, v37  }
.Ltmp1:
0x164: {  	v32 =	vld.idx.msk [tilespmem:v3+s29+$0x0], $0xffff;
	[tilespmem:v39+s18+$0x0] =	vst.idx.msk $0xffff, v33;
	(pc) =	sbr.rel @p0 .LBB2_4-.Ltmp1, $4  }
0x165: {  	[tilespmem:v46+s18+$0x0] =	vst.idx.msk $0xffff, v34;
	v34 =	vld.idx.msk [tilespmem:v4+s30+$0x0], $0xffff  }
0x166: {  	v37 =	vor.u32 $0x200, v6;
	v36 =	vld.idx.msk [tilespmem:v2+s29+$0x0], $0xffff;
	[tilespmem:v20+s18+$0x0] =	vst.idx.msk $0xffff, v38;
	v20 =	vmov v56  }
0x167: {  	[tilespmem:v15+s18+$0x0] =	vst.idx.msk $0xffff, v41;
	v33 =	vld.idx.msk [tilespmem:v1+s0+$0x0], $0xffff;
	v15 =	vmov v54  }
0x168: {  	s5 =	sadd.s32 $0x200, s5;
	v35 =	vld.idx.msk [tilespmem:v5+s4+$0x0], $0xffff;
	[tilespmem:v14+s18+$0x0] =	vst.idx.msk $0xffff, v40;
	v5 =	vmov v13;
	v14 =	vmov v55  }
0x169: {  	_ =	sdelay $0x3  }
0x16a: {  	[tilespmem:v28+s18+$0x0] =	vst.idx.msk $0xffff, v31  }
0x16b: {  	[tilespmem:v27+s18+$0x0] =	vst.idx.msk $0xffff, v32;
	v13 =	vld.idx.msk [tilespmem:v5+s30+$0x0], $0xffff  }
0x16c: {  	v27 =	vld.idx.msk [tilespmem:v3+s30+$0x0], $0xffff;
	[tilespmem:v30+s18+$0x0] =	vst.idx.msk $0xffff, v36  }
0x16d: {  	v50 =	vld.idx.msk [tilespmem:v2+s30+$0x0], $0xffff;
	_ =	sdelay $0x1  }
0x16e: {  	[tilespmem:v37+s18+$0x0] =	vst.idx.msk $0xffff, v34  }
0x16f: {  	v52 =	vor.u32 $0x280, v6;
	v51 =	vld.idx.msk [tilespmem:v4+s31+$0x0], $0xffff;
	[tilespmem:v21+s18+$0x0] =	vst.idx.msk $0xffff, v13  }
0x170: {  	[tilespmem:v19+s18+$0x0] =	vst.idx.msk $0xffff, v27;
	v13 =	vld.idx.msk [tilespmem:v5+s31+$0x0], $0xffff  }
0x171: {  	v19 =	vld.idx.msk [tilespmem:v3+s31+$0x0], $0xffff;
	[tilespmem:v22+s18+$0x0] =	vst.idx.msk $0xffff, v50  }
0x172: {  	[tilespmem:v7+s18+$0x0] =	vst.idx.msk $0xffff, v16;
	v53 =	vld.idx.msk [tilespmem:v2+s31+$0x0], $0xffff  }
0x173: {  	[tilespmem:v9+s18+$0x0] =	vst.idx.msk $0xffff, v23  }
0x174: {  	[tilespmem:v52+s18+$0x0] =	vst.idx.msk $0xffff, v51  }
0x175: {  	v55 =	vor.u32 $0x300, v6;
	v54 =	vld.idx.msk [tilespmem:v4+s0+$0x0], $0xffff;
	[tilespmem:v18+s18+$0x0] =	vst.idx.msk $0xffff, v13  }
0x176: {  	[tilespmem:v17+s18+$0x0] =	vst.idx.msk $0xffff, v19;
	v56 =	vld.idx.msk [tilespmem:v5+s0+$0x0], $0xffff  }
0x177: {  	v57 =	vld.idx.msk [tilespmem:v3+s0+$0x0], $0xffff;
	[tilespmem:v20+s18+$0x0] =	vst.idx.msk $0xffff, v53  }
0x178: {  	[tilespmem:v12+s18+$0x0] =	vst.idx.msk $0xffff, v33;
	v58 =	vld.idx.msk [tilespmem:v2+s0+$0x0], $0xffff  }
0x179: {  	v0 =	vld.idx.msk [tilespmem:v0+s4+$0x0], $0xffff;
	[tilespmem:v11+s18+$0x0] =	vst.idx.msk $0xffff, v35  }
0x17a: {  	v1 =	vld.idx.msk [tilespmem:v1+s4+$0x0], $0xffff;
	[tilespmem:v55+s18+$0x0] =	vst.idx.msk $0xffff, v54  }
0x17b: {  	v60 =	vor.u32 $0x380, v6;
	v59 =	vld.idx.msk [tilespmem:v4+s4+$0x0], $0xffff;
	[tilespmem:v15+s18+$0x0] =	vst.idx.msk $0xffff, v56  }
0x17c: {  	[tilespmem:v14+s18+$0x0] =	vst.idx.msk $0xffff, v57;
	v61 =	vld.idx.msk [tilespmem:v5+s4+$0x0], $0xffff  }
0x17d: {  	v62 =	vld.idx.msk [tilespmem:v3+s4+$0x0], $0xffff;
	[tilespmem:v29+s18+$0x0] =	vst.idx.msk $0xffff, v58  }
0x17e: {  	[tilespmem:v8+s18+$0x0] =	vst.idx.msk $0xffff, v0;
	v63 =	vld.idx.msk [tilespmem:v2+s4+$0x0], $0xffff  }
0x17f: {  	[tilespmem:v10+s18+$0x0] =	vst.idx.msk $0xffff, v1  }
0x180: {  	[tilespmem:v60+s18+$0x0] =	vst.idx.msk $0xffff, v59  }
0x181: {  	[tilespmem:v26+s18+$0x0] =	vst.idx.msk $0xffff, v61  }
0x182: {  	[tilespmem:v24+s18+$0x0] =	vst.idx.msk $0xffff, v62  }
0x183: {  	[tilespmem:v25+s18+$0x0] =	vst.idx.msk $0xffff, v63  }
0x184: {  	s2 =	rddreg [dreg:$0x9]  }
0x185: {  	[hbm4b:s2+s1] =	stream.linear.scatter [tilespmem:s18], [sflag:$0x2], $0x8000, $0x38;
	[tilespmem:$0x1D800] =	vst v63  }
0x186: {  	s2 =	simm.s32 $0x1  }
.LBB2_6:
0x187: {  	s3 =	simm.s32 $0x1  }
0x188: {  	_ =	swait.ge [sflag:s3], $0x8000  }
0x189: {  	[sflag:s3] =	ssyncset.done $0x0  }
0x18a: {  	s13 =	simm.s32 $0x8100;
	[sflag:s3] =	ssyncadd.s32 $0xFFFF8000  }
0x18b: {  	s5 =	simm.s32 $0xAD00;
	v3 =	vld [tilespmem:s13+$0x80]  }
0x18c: {  	v0 =	vld [tilespmem:s5+$0x80];
	_ =	sdelay $0x3  }
0x18d: {  	v2 =	vld [tilespmem:s13+$0xFFFFFF00]  }
0x18e: {  	s14 =	sshll.u32 s2, $0xA;
	v1 =	vld [tilespmem:s5+$0xFFFFFF00];
	v4 =	vshll.u32 v0, $0x3  }
0x18f: {  	s9 =	sand.u32 $0x3FFFFC00, s14;
	v6 =	vld [tilespmem:s5+$0xFFFFFF80];
	v0 =	vand.u32 $0x7F, v0;
	v4 =	vand.u32 $0xFFFFFC00, v4  }
0x190: {  	v5 =	vor.u32 v0, v4;
	v8 =	vld.idx.msk [tilespmem:v3+s9+$0x0], $0xffff  }
0x191: {  	v10 =	vld [tilespmem:s13+$0xFFFFFF80];
	_ =	sdelay $0x1  }
0x192: {  	v7 =	vld [tilespmem:s13+$0x0]  }
0x193: {  	v9 =	vand.u32 $0x7F, v6;
	v0 =	vld [tilespmem:s5+$0x0];
	v4 =	vshll.u32 v1, $0x3  }
0x194: {  	s10 =	sor.u32 $0x40, s9;
	v6 =	vshll.u32 v6, $0x3;
	v1 =	vand.u32 $0x7F, v1;
	v4 =	vand.u32 $0xFFFFFC00, v4;
	[tilespmem:v5+s17+$0x0] =	vst.idx.msk $0xffff, v8  }
0x195: {  	v13 =	vor.u32 $0x80, v5;
	v11 =	vor.u32 v1, v4;
	v1 =	vand.u32 $0xFFFFFC00, v6;
	v6 =	vld.idx.msk [tilespmem:v3+s10+$0x0], $0xffff  }
0x196: {  	s6 =	simm.s32 $0x8300;
	v12 =	vld.idx.msk [tilespmem:v2+s9+$0x0], $0xffff  }
0x197: {  	v16 =	vld [tilespmem:s6+$0x80]  }
0x198: {  	s7 =	simm.s32 $0xAF00;
	v14 =	vld.idx.msk [tilespmem:v10+s9+$0x0], $0xffff;
	v4 =	vshll.u32 v0, $0x3;
	v8 =	vor.u32 v9, v1  }
0x199: {  	v20 =	vld [tilespmem:s7+$0xFFFFFF80];
	v0 =	vand.u32 $0x7F, v0;
	v1 =	vand.u32 $0xFFFFFC00, v4  }
0x19a: {  	s11 =	sor.u32 $0x80, s9;
	v4 =	vld.idx.msk [tilespmem:v7+s9+$0x0], $0xffff;
	v9 =	vor.u32 v0, v1;
	[tilespmem:v13+s17+$0x0] =	vst.idx.msk $0xffff, v6  }
0x19b: {  	[tilespmem:v11+s17+$0x0] =	vst.idx.msk $0xffff, v12;
	v12 =	vor.u32 $0x100, v5;
	v6 =	vld.idx.msk [tilespmem:v3+s11+$0x0], $0xffff  }
0x19c: {  	v0 =	vor.u32 $0x80, v11;
	v1 =	vld.idx.msk [tilespmem:v2+s10+$0x0], $0xffff  }
0x19d: {  	v23 =	vld [tilespmem:s7+$0x0];
	[tilespmem:v8+s17+$0x0] =	vst.idx.msk $0xffff, v14  }
0x19e: {  	s13 =	simm.s32 $0xB100;
	v13 =	vor.u32 $0x80, v8;
	v14 =	vld.idx.msk [tilespmem:v10+s10+$0x0], $0xffff  }
0x19f: {  	v29 =	vld [tilespmem:s13+$0xFFFFFF00];
	[tilespmem:v9+s17+$0x0] =	vst.idx.msk $0xffff, v4  }
0x1a0: {  	s8 =	sor.u32 $0xC0, s9;
	v4 =	vor.u32 $0x80, v9;
	v15 =	vld.idx.msk [tilespmem:v7+s10+$0x0], $0xffff;
	[tilespmem:v12+s17+$0x0] =	vst.idx.msk $0xffff, v6  }
0x1a1: {  	[tilespmem:v0+s17+$0x0] =	vst.idx.msk $0xffff, v1;
	v12 =	vor.u32 $0x180, v5;
	v6 =	vld.idx.msk [tilespmem:v3+s8+$0x0], $0xffff  }
0x1a2: {  	v0 =	vor.u32 $0x100, v11;
	v1 =	vld.idx.msk [tilespmem:v2+s11+$0x0], $0xffff  }
0x1a3: {  	v31 =	vld [tilespmem:s13+$0xFFFFFF80];
	[tilespmem:v13+s17+$0x0] =	vst.idx.msk $0xffff, v14  }
0x1a4: {  	v13 =	vor.u32 $0x100, v8;
	v14 =	vld.idx.msk [tilespmem:v10+s11+$0x0], $0xffff  }
0x1a5: {  	v35 =	vld [tilespmem:s13+$0x0];
	[tilespmem:v4+s17+$0x0] =	vst.idx.msk $0xffff, v15  }
0x1a6: {  	s3 =	sor.u32 $0x100, s9;
	v4 =	vor.u32 $0x100, v9;
	v15 =	vld.idx.msk [tilespmem:v7+s11+$0x0], $0xffff;
	[tilespmem:v12+s17+$0x0] =	vst.idx.msk $0xffff, v6  }
0x1a7: {  	[tilespmem:v0+s17+$0x0] =	vst.idx.msk $0xffff, v1;
	v6 =	vor.u32 $0x200, v5;
	v1 =	vld.idx.msk [tilespmem:v3+s3+$0x0], $0xffff  }
0x1a8: {  	v0 =	vld [tilespmem:s6+$0xFFFFFF80]  }
0x1a9: {  	[tilespmem:v13+s17+$0x0] =	vst.idx.msk $0xffff, v14;
	v13 =	vld [tilespmem:s7+$0x80]  }
0x1aa: {  	v12 =	vld [tilespmem:s6+$0xFFFFFF00]  }
0x1ab: {  	[tilespmem:v4+s17+$0x0] =	vst.idx.msk $0xffff, v15;
	v15 =	vld [tilespmem:s7+$0xFFFFFF00]  }
0x1ac: {  	s5 =	sor.u32 $0x140, s9;
	[tilespmem:v6+s17+$0x0] =	vst.idx.msk $0xffff, v1;
	v1 =	vld [tilespmem:s6+$0x0]  }
0x1ad: {  	v14 =	vor.u32 $0x280, v5;
	v6 =	vld.idx.msk [tilespmem:v3+s5+$0x0], $0xffff  }
0x1ae: {  	v22 =	vld.idx.msk [tilespmem:v16+s9+$0x0], $0xffff  }
0x1af: {  	v21 =	vor.u32 $0x180, v11;
	v18 =	vld.idx.msk [tilespmem:v2+s8+$0x0], $0xffff;
	v17 =	vshll.u32 v13, $0x3  }
0x1b0: {  	v25 =	vor.u32 $0x180, v9;
	v4 =	vld.idx.msk [tilespmem:v7+s8+$0x0], $0xffff;
	v13 =	vand.u32 $0x7F, v13;
	v17 =	vand.u32 $0xFFFFFC00, v17  }
0x1b1: {  	v19 =	vld.idx.msk [tilespmem:v10+s8+$0x0], $0xffff;
	v17 =	vor.u32 v13, v17  }
0x1b2: {  	s16 =	sor.u32 $0x180, s9;
	v27 =	vor.u32 $0x300, v5;
	v26 =	vld.idx.msk [tilespmem:v0+s9+$0x0], $0xffff;
	v13 =	vshll.u32 v15, $0x3;
	[tilespmem:v14+s17+$0x0] =	vst.idx.msk $0xffff, v6;
	v6 =	vor.u32 $0x180, v8  }
0x1b3: {  	v13 =	vand.u32 $0xFFFFFC00, v13;
	v14 =	vand.u32 $0x7F, v15;
	v15 =	vshll.u32 v20, $0x3;
	v24 =	vld.idx.msk [tilespmem:v3+s16+$0x0], $0xffff  }
0x1b4: {  	[tilespmem:v21+s17+$0x0] =	vst.idx.msk $0xffff, v18;
	v18 =	vand.u32 $0x7F, v20;
	v20 =	vld.idx.msk [tilespmem:v12+s9+$0x0], $0xffff;
	v13 =	vor.u32 v14, v13;
	v14 =	vand.u32 $0xFFFFFC00, v15  }
0x1b5: {  	[tilespmem:v25+s17+$0x0] =	vst.idx.msk $0xffff, v4;
	v28 =	vld.idx.msk [tilespmem:v1+s9+$0x0], $0xffff;
	v14 =	vor.u32 v18, v14  }
0x1b6: {  	[tilespmem:v17+s17+$0x0] =	vst.idx.msk $0xffff, v22;
	v22 =	vor.u32 $0x200, v11;
	v15 =	vshll.u32 v23, $0x3;
	v18 =	vld.idx.msk [tilespmem:v2+s3+$0x0], $0xffff  }
0x1b7: {  	v21 =	vor.u32 $0x80, v17;
	v15 =	vand.u32 $0xFFFFFC00, v15;
	[tilespmem:v6+s17+$0x0] =	vst.idx.msk $0xffff, v19;
	v6 =	vand.u32 $0x7F, v23;
	v19 =	vld.idx.msk [tilespmem:v16+s10+$0x0], $0xffff  }
0x1b8: {  	s14 =	sor.u32 $0x1C0, s9;
	v15 =	vor.u32 v6, v15;
	v6 =	vld.idx.msk [tilespmem:v10+s3+$0x0], $0xffff;
	[tilespmem:v27+s17+$0x0] =	vst.idx.msk $0xffff, v24  }
0x1b9: {  	[tilespmem:v13+s17+$0x0] =	vst.idx.msk $0xffff, v20;
	v23 =	vld.idx.msk [tilespmem:v3+s14+$0x0], $0xffff;
	v3 =	vor.u32 $0x200, v8  }
0x1ba: {  	v20 =	vor.u32 $0x80, v13;
	v24 =	vld.idx.msk [tilespmem:v12+s10+$0x0], $0xffff;
	[tilespmem:v14+s17+$0x0] =	vst.idx.msk $0xffff, v26  }
0x1bb: {  	v4 =	vld.idx.msk [tilespmem:v7+s3+$0x0], $0xffff;
	[tilespmem:v22+s17+$0x0] =	vst.idx.msk $0xffff, v18;
	v18 =	vor.u32 $0x200, v9  }
0x1bc: {  	v25 =	vor.u32 $0x80, v14;
	v26 =	vld.idx.msk [tilespmem:v0+s10+$0x0], $0xffff;
	[tilespmem:v21+s17+$0x0] =	vst.idx.msk $0xffff, v19  }
0x1bd: {  	v21 =	vor.u32 $0x100, v17;
	[tilespmem:v15+s17+$0x0] =	vst.idx.msk $0xffff, v28;
	v19 =	vld.idx.msk [tilespmem:v16+s11+$0x0], $0xffff  }
0x1be: {  	v27 =	vor.u32 $0x80, v15;
	v28 =	vld.idx.msk [tilespmem:v1+s10+$0x0], $0xffff;
	[tilespmem:v3+s17+$0x0] =	vst.idx.msk $0xffff, v6  }
0x1bf: {  	v22 =	vld.idx.msk [tilespmem:v2+s5+$0x0], $0xffff;
	v3 =	vor.u32 $0x280, v11;
	[tilespmem:v20+s17+$0x0] =	vst.idx.msk $0xffff, v24  }
0x1c0: {  	[tilespmem:v18+s17+$0x0] =	vst.idx.msk $0xffff, v4;
	v6 =	vld.idx.msk [tilespmem:v10+s5+$0x0], $0xffff  }
0x1c1: {  	v20 =	vor.u32 $0x280, v8;
	v24 =	vld.idx.msk [tilespmem:v12+s11+$0x0], $0xffff;
	[tilespmem:v25+s17+$0x0] =	vst.idx.msk $0xffff, v26  }
0x1c2: {  	v25 =	vor.u32 $0x100, v13;
	v26 =	vld.idx.msk [tilespmem:v0+s11+$0x0], $0xffff;
	[tilespmem:v21+s17+$0x0] =	vst.idx.msk $0xffff, v19  }
0x1c3: {  	[tilespmem:v27+s17+$0x0] =	vst.idx.msk $0xffff, v28;
	v21 =	vld.idx.msk [tilespmem:v16+s8+$0x0], $0xffff;
	v28 =	vor.u32 $0x180, v17  }
0x1c4: {  	v19 =	vor.u32 $0x100, v14;
	[tilespmem:v3+s17+$0x0] =	vst.idx.msk $0xffff, v22;
	v3 =	vld.idx.msk [tilespmem:v7+s5+$0x0], $0xffff  }
0x1c5: {  	v27 =	vld.idx.msk [tilespmem:v1+s11+$0x0], $0xffff  }
0x1c6: {  	v4 =	vor.u32 $0x100, v15;
	v22 =	vld.idx.msk [tilespmem:v2+s16+$0x0], $0xffff;
	[tilespmem:v20+s17+$0x0] =	vst.idx.msk $0xffff, v6  }
0x1c7: {  	v6 =	vor.u32 $0x300, v11;
	[tilespmem:v25+s17+$0x0] =	vst.idx.msk $0xffff, v24;
	v20 =	vld.idx.msk [tilespmem:v10+s16+$0x0], $0xffff  }
0x1c8: {  	v18 =	vor.u32 $0x280, v9;
	v24 =	vld.idx.msk [tilespmem:v12+s8+$0x0], $0xffff;
	[tilespmem:v28+s17+$0x0] =	vst.idx.msk $0xffff, v21  }
0x1c9: {  	[tilespmem:v19+s17+$0x0] =	vst.idx.msk $0xffff, v26;
	v26 =	vor.u32 $0x200, v17;
	v21 =	vld.idx.msk [tilespmem:v16+s3+$0x0], $0xffff  }
0x1ca: {  	s15 =	simm.s32 $0x8500;
	v19 =	vld.idx.msk [tilespmem:v0+s8+$0x0], $0xffff  }
0x1cb: {  	[tilespmem:v4+s17+$0x0] =	vst.idx.msk $0xffff, v27;
	v4 =	vld [tilespmem:s15+$0x80]  }
0x1cc: {  	[tilespmem:v6+s17+$0x0] =	vst.idx.msk $0xffff, v22;
	v6 =	vld [tilespmem:s13+$0x80]  }
0x1cd: {  	v30 =	vor.u32 $0x180, v13;
	[tilespmem:v18+s17+$0x0] =	vst.idx.msk $0xffff, v3;
	v3 =	vld [tilespmem:s15+$0xFFFFFF80]  }
0x1ce: {  	v33 =	vor.u32 $0x180, v14;
	v18 =	vld.idx.msk [tilespmem:v7+s16+$0x0], $0xffff;
	[tilespmem:v26+s17+$0x0] =	vst.idx.msk $0xffff, v21  }
0x1cf: {  	v26 =	vor.u32 $0x280, v17;
	v21 =	vld.idx.msk [tilespmem:v16+s5+$0x0], $0xffff  }
0x1d0: {  	v27 =	vor.u32 $0x380, v5;
	v5 =	vld [tilespmem:s15+$0xFFFFFF00]  }
0x1d1: {  	v11 =	vor.u32 $0x380, v11;
	v28 =	vor.u32 $0x300, v8;
	v25 =	vld.idx.msk [tilespmem:v1+s8+$0x0], $0xffff;
	v32 =	vshll.u32 v6, $0x3  }
0x1d2: {  	v22 =	vld.idx.msk [tilespmem:v2+s14+$0x0], $0xffff;
	[tilespmem:v30+s17+$0x0] =	vst.idx.msk $0xffff, v24;
	v24 =	vshll.u32 v29, $0x3;
	v6 =	vand.u32 $0x7F, v6;
	v32 =	vand.u32 $0xFFFFFC00, v32  }
0x1d3: {  	v24 =	vand.u32 $0xFFFFFC00, v24;
	[tilespmem:v33+s17+$0x0] =	vst.idx.msk $0xffff, v19;
	v6 =	vor.u32 v6, v32;
	v34 =	vld.idx.msk [tilespmem:v4+s9+$0x0], $0xffff  }
0x1d4: {  	v2 =	vld [tilespmem:s15+$0x0];
	v19 =	vand.u32 $0x7F, v29;
	v29 =	vshll.u32 v31, $0x3;
	[tilespmem:v26+s17+$0x0] =	vst.idx.msk $0xffff, v21;
	v21 =	vor.u32 $0x180, v15  }
0x1d5: {  	[tilespmem:v27+s17+$0x0] =	vst.idx.msk $0xffff, v23;
	v27 =	vor.u32 $0x300, v9;
	v24 =	vor.u32 v19, v24;
	v19 =	vand.u32 $0xFFFFFC00, v29;
	v29 =	vld.idx.msk [tilespmem:v12+s3+$0x0], $0xffff  }
0x1d6: {  	[tilespmem:v28+s17+$0x0] =	vst.idx.msk $0xffff, v20;
	v26 =	vor.u32 $0x300, v17;
	v23 =	vld.idx.msk [tilespmem:v16+s16+$0x0], $0xffff  }
0x1d7: {  	[tilespmem:v11+s17+$0x0] =	vst.idx.msk $0xffff, v22;
	v20 =	vld.idx.msk [tilespmem:v3+s9+$0x0], $0xffff  }
0x1d8: {  	v31 =	vand.u32 $0x7F, v31;
	v30 =	vld.idx.msk [tilespmem:v5+s9+$0x0], $0xffff;
	[tilespmem:v6+s17+$0x0] =	vst.idx.msk $0xffff, v34  }
0x1d9: {  	[tilespmem:v21+s17+$0x0] =	vst.idx.msk $0xffff, v25;
	v25 =	vor.u32 v31, v19;
	v21 =	vld.idx.msk [tilespmem:v4+s10+$0x0], $0xffff  }
0x1da: {  	v32 =	vor.u32 $0x80, v6;
	[tilespmem:v27+s17+$0x0] =	vst.idx.msk $0xffff, v18;
	v19 =	vshll.u32 v35, $0x3;
	v11 =	vld.idx.msk [tilespmem:v1+s3+$0x0], $0xffff  }
0x1db: {  	v31 =	vand.u32 $0x7F, v35;
	v19 =	vand.u32 $0xFFFFFC00, v19;
	[tilespmem:v26+s17+$0x0] =	vst.idx.msk $0xffff, v23;
	v23 =	vld.idx.msk [tilespmem:v7+s14+$0x0], $0xffff;
	v7 =	vor.u32 $0x200, v15  }
0x1dc: {  	v28 =	vld.idx.msk [tilespmem:v2+s9+$0x0], $0xffff;
	v35 =	vor.u32 v31, v19  }
0x1dd: {  	v17 =	vor.u32 $0x380, v17;
	[tilespmem:v24+s17+$0x0] =	vst.idx.msk $0xffff, v30;
	v18 =	vld.idx.msk [tilespmem:v16+s14+$0x0], $0xffff  }
0x1de: {  	v33 =	vld.idx.msk [tilespmem:v0+s3+$0x0], $0xffff;
	v19 =	vor.u32 $0x200, v13;
	[tilespmem:v25+s17+$0x0] =	vst.idx.msk $0xffff, v20  }
0x1df: {  	v16 =	vld.idx.msk [tilespmem:v10+s14+$0x0], $0xffff;
	v10 =	vor.u32 $0x200, v14;
	[tilespmem:v32+s17+$0x0] =	vst.idx.msk $0xffff, v21  }
0x1e0: {  	v22 =	vld.idx.msk [tilespmem:v5+s10+$0x0], $0xffff;
	v20 =	vor.u32 $0x80, v24;
	[tilespmem:v7+s17+$0x0] =	vst.idx.msk $0xffff, v11  }
0x1e1: {  	v21 =	vor.u32 $0x80, v25;
	v26 =	vld.idx.msk [tilespmem:v3+s10+$0x0], $0xffff;
	[tilespmem:v35+s17+$0x0] =	vst.idx.msk $0xffff, v28  }
0x1e2: {  	v30 =	vor.u32 $0x100, v6;
	v27 =	vld.idx.msk [tilespmem:v4+s11+$0x0], $0xffff;
	[tilespmem:v17+s17+$0x0] =	vst.idx.msk $0xffff, v18  }
0x1e3: {  	v39 =	vor.u32 $0x280, v15;
	[tilespmem:v19+s17+$0x0] =	vst.idx.msk $0xffff, v29;
	v37 =	vld.idx.msk [tilespmem:v1+s5+$0x0], $0xffff  }
0x1e4: {  	v17 =	vor.u32 $0x80, v35;
	[tilespmem:v10+s17+$0x0] =	vst.idx.msk $0xffff, v33;
	v28 =	vld.idx.msk [tilespmem:v2+s10+$0x0], $0xffff  }
0x1e5: {  	v18 =	vld.idx.msk [tilespmem:v12+s5+$0x0], $0xffff;
	[tilespmem:v20+s17+$0x0] =	vst.idx.msk $0xffff, v22  }
0x1e6: {  	v10 =	vor.u32 $0x280, v13;
	v19 =	vld.idx.msk [tilespmem:v0+s5+$0x0], $0xffff;
	[tilespmem:v21+s17+$0x0] =	vst.idx.msk $0xffff, v26  }
0x1e7: {  	v20 =	vor.u32 $0x280, v14;
	v22 =	vld.idx.msk [tilespmem:v5+s11+$0x0], $0xffff;
	[tilespmem:v30+s17+$0x0] =	vst.idx.msk $0xffff, v27  }
0x1e8: {  	v21 =	vor.u32 $0x100, v24;
	v26 =	vld.idx.msk [tilespmem:v3+s11+$0x0], $0xffff;
	[tilespmem:v39+s17+$0x0] =	vst.idx.msk $0xffff, v37  }
0x1e9: {  	v27 =	vor.u32 $0x100, v25;
	[tilespmem:v17+s17+$0x0] =	vst.idx.msk $0xffff, v28;
	v17 =	vld.idx.msk [tilespmem:v4+s8+$0x0], $0xffff  }
0x1ea: {  	v38 =	vor.u32 $0x300, v13;
	v30 =	vor.u32 $0x180, v6;
	v33 =	vld.idx.msk [tilespmem:v1+s16+$0x0], $0xffff  }
0x1eb: {  	v41 =	vor.u32 $0x300, v14;
	v9 =	vor.u32 $0x380, v9;
	v63 =	vor.u32 $0x100, v35;
	[tilespmem:v10+s17+$0x0] =	vst.idx.msk $0xffff, v18;
	v29 =	vld.idx.msk [tilespmem:v2+s11+$0x0], $0xffff  }
0x1ec: {  	v7 =	vor.u32 $0x380, v8;
	v11 =	vor.u32 $0x380, v13;
	v8 =	vor.u32 $0x380, v14;
	v40 =	vld.idx.msk [tilespmem:v12+s16+$0x0], $0xffff;
	[tilespmem:v20+s17+$0x0] =	vst.idx.msk $0xffff, v19  }
0x1ed: {  	v13 =	vor.u32 $0x300, v15;
	v14 =	vor.u32 $0x300, v25;
	v37 =	vor.u32 $0x200, v6;
	[tilespmem:v21+s17+$0x0] =	vst.idx.msk $0xffff, v22;
	v42 =	vld.idx.msk [tilespmem:v0+s16+$0x0], $0xffff  }
0x1ee: {  	v10 =	vor.u32 $0x380, v15;
	v28 =	vor.u32 $0x180, v24;
	v18 =	vor.u32 $0x280, v24;
	v31 =	vld.idx.msk [tilespmem:v5+s8+$0x0], $0xffff;
	[tilespmem:v27+s17+$0x0] =	vst.idx.msk $0xffff, v26  }
0x1ef: {  	v15 =	vor.u32 $0x300, v24;
	v19 =	vor.u32 $0x200, v25;
	v27 =	vor.u32 $0x180, v25;
	v32 =	vld.idx.msk [tilespmem:v3+s8+$0x0], $0xffff;
	[tilespmem:v30+s17+$0x0] =	vst.idx.msk $0xffff, v17  }
0x1f0: {  	v20 =	vor.u32 $0x280, v35;
	v21 =	vor.u32 $0x200, v24;
	v22 =	vor.u32 $0x200, v35;
	[tilespmem:v63+s17+$0x0] =	vst.idx.msk $0xffff, v29;
	v34 =	vld.idx.msk [tilespmem:v4+s3+$0x0], $0xffff  }
0x1f1: {  	v26 =	vor.u32 $0x380, v24;
	v24 =	vor.u32 $0x380, v25;
	v30 =	vor.u32 $0x180, v35;
	[tilespmem:v38+s17+$0x0] =	vst.idx.msk $0xffff, v40;
	v36 =	vld.idx.msk [tilespmem:v2+s8+$0x0], $0xffff  }
0x1f2: {  	s6 =	simm.s32 $0x8700;
	s15 =	simm.s32 $0x8;
	v17 =	vor.u32 $0x280, v25;
	v25 =	vor.u32 $0x380, v35;
	v29 =	vor.u32 $0x300, v35;
	v35 =	vld.idx.msk [tilespmem:v12+s14+$0x0], $0xffff;
	[tilespmem:v41+s17+$0x0] =	vst.idx.msk $0xffff, v42  }
.LBB2_7:
0x1f3: {  	v38 =	vld [tilespmem:s6+$0x80];
	s15 =	sadd.s32 $0x4, s15;
	[tilespmem:v28+s17+$0x0] =	vst.idx.msk $0xffff, v31  }
0x1f4: {  	s13 =	sadd.s32 $0x200, s13;
	v31 =	vld [tilespmem:s6+$0xFFFFFF80];
	p0 =	slt.u32 s15, $0x50;
	[tilespmem:v27+s17+$0x0] =	vst.idx.msk $0xffff, v32  }
0x1f5: {  	v27 =	vld [tilespmem:s13+$0x80];
	[tilespmem:v37+s17+$0x0] =	vst.idx.msk $0xffff, v34  }
0x1f6: {  	[tilespmem:v30+s17+$0x0] =	vst.idx.msk $0xffff, v36;
	v28 =	vld.idx.msk [tilespmem:v4+s5+$0x0], $0xffff  }
0x1f7: {  	v30 =	vor.u32 $0x280, v6;
	v32 =	vld [tilespmem:s6+$0x0];
	[tilespmem:v13+s17+$0x0] =	vst.idx.msk $0xffff, v33;
	v13 =	vmov v29  }
0x1f8: {  	v12 =	vld [tilespmem:s6+$0xFFFFFF00];
	[tilespmem:v11+s17+$0x0] =	vst.idx.msk $0xffff, v35;
	v11 =	vmov v26  }
0x1f9: {  	v26 =	vld [tilespmem:s13+$0xFFFFFF00];
	[tilespmem:v7+s17+$0x0] =	vst.idx.msk $0xffff, v16;
	v7 =	vmov v8;
	v8 =	vmov v24  }
0x1fa: {  	v16 =	vld [tilespmem:s13+$0xFFFFFF80];
	v24 =	vshll.u32 v27, $0x3;
	[tilespmem:v9+s17+$0x0] =	vst.idx.msk $0xffff, v23;
	v9 =	vmov v10;
	v10 =	vmov v25  }
0x1fb: {  	v25 =	vand.u32 $0x7F, v27;
	v23 =	vld.idx.msk [tilespmem:v38+s9+$0x0], $0xffff;
	v24 =	vand.u32 $0xFFFFFC00, v24  }
0x1fc: {  	v27 =	vld [tilespmem:s13+$0x0];
	v24 =	vor.u32 v25, v24;
	[tilespmem:v30+s17+$0x0] =	vst.idx.msk $0xffff, v28  }
0x1fd: {  	v25 =	vld.idx.msk [tilespmem:v4+s16+$0x0], $0xffff  }
0x1fe: {  	v30 =	vor.u32 $0x300, v6;
	v28 =	vand.u32 $0x7F, v26;
	v26 =	vshll.u32 v26, $0x3;
	v29 =	vld.idx.msk [tilespmem:v31+s9+$0x0], $0xffff  }
0x1ff: {  	v26 =	vand.u32 $0xFFFFFC00, v26;
	v33 =	vand.u32 $0x7F, v16;
	v16 =	vshll.u32 v16, $0x3;
	v34 =	vld.idx.msk [tilespmem:v32+s9+$0x0], $0xffff  }
0x200: {  	v35 =	vld.idx.msk [tilespmem:v12+s9+$0x0], $0xffff;
	v26 =	vor.u32 v28, v26;
	v16 =	vand.u32 $0xFFFFFC00, v16  }
0x201: {  	v33 =	vor.u32 v33, v16;
	v16 =	vand.u32 $0x7F, v27;
	v27 =	vshll.u32 v27, $0x3;
	[tilespmem:v24+s17+$0x0] =	vst.idx.msk $0xffff, v23;
	v23 =	vld.idx.msk [tilespmem:v5+s3+$0x0], $0xffff  }
0x202: {  	v36 =	vor.u32 $0x80, v26;
	v37 =	vor.u32 $0x80, v33;
	v27 =	vand.u32 $0xFFFFFC00, v27;
	v39 =	vld.idx.msk [tilespmem:v38+s10+$0x0], $0xffff  }
0x203: {  	v42 =	vor.u32 $0x80, v24;
	v40 =	vor.u32 $0x100, v26;
	v41 =	vor.u32 v16, v27;
	v43 =	vld.idx.msk [tilespmem:v3+s3+$0x0], $0xffff;
	[tilespmem:v30+s17+$0x0] =	vst.idx.msk $0xffff, v25  }
0x204: {  	v44 =	vor.u32 $0x100, v33;
	v45 =	vor.u32 $0x80, v41;
	v46 =	vor.u32 $0x100, v41;
	v47 =	vld.idx.msk [tilespmem:v4+s14+$0x0], $0xffff;
	v4 =	vmovc v38  }
0x205: {  	v48 =	vor.u32 $0x380, v6;
	v6 =	vmovc v24;
	v28 =	vor.u32 $0x180, v26;
	v27 =	vor.u32 $0x180, v33;
	v38 =	vld.idx.msk [tilespmem:v2+s3+$0x0], $0xffff  }
0x206: {  	v49 =	vor.u32 $0x200, v33;
	v30 =	vor.u32 $0x180, v41;
	[tilespmem:v26+s17+$0x0] =	vst.idx.msk $0xffff, v35;
	v35 =	vor.u32 $0x200, v26;
	v16 =	vld.idx.msk [tilespmem:v0+s14+$0x0], $0xffff;
	v0 =	vmovc v3  }
0x207: {  	v51 =	vor.u32 $0x280, v26;
	v52 =	vor.u32 $0x280, v33;
	v53 =	vor.u32 $0x200, v41;
	v3 =	vmovc v31;
	v50 =	vld.idx.msk [tilespmem:v12+s10+$0x0], $0xffff;
	[tilespmem:v33+s17+$0x0] =	vst.idx.msk $0xffff, v29  }
0x208: {  	v54 =	vor.u32 $0x300, v26;
	v55 =	vor.u32 $0x300, v33;
	v56 =	vor.u32 $0x280, v41;
	v31 =	vld.idx.msk [tilespmem:v31+s10+$0x0], $0xffff;
	[tilespmem:v42+s17+$0x0] =	vst.idx.msk $0xffff, v39  }
0x209: {  	v24 =	vor.u32 $0x380, v33;
	v26 =	vor.u32 $0x380, v26;
	v29 =	vor.u32 $0x300, v41;
	[tilespmem:v41+s17+$0x0] =	vst.idx.msk $0xffff, v34;
	v33 =	vld.idx.msk [tilespmem:v4+s11+$0x0], $0xffff  }
0x20a: {  	v25 =	vor.u32 $0x380, v41;
	v39 =	vor.u32 $0x100, v6;
	v34 =	vld.idx.msk [tilespmem:v32+s10+$0x0], $0xffff;
	[tilespmem:v48+s17+$0x0] =	vst.idx.msk $0xffff, v47  }
0x20b: {  	[tilespmem:v21+s17+$0x0] =	vst.idx.msk $0xffff, v23;
	v23 =	vld.idx.msk [tilespmem:v1+s14+$0x0], $0xffff;
	v1 =	vmov v2;
	v2 =	vmov v32;
	v21 =	vmov v35  }
0x20c: {  	v32 =	vld.idx.msk [tilespmem:v5+s5+$0x0], $0xffff;
	[tilespmem:v19+s17+$0x0] =	vst.idx.msk $0xffff, v43;
	v19 =	vmov v49  }
0x20d: {  	[tilespmem:v36+s17+$0x0] =	vst.idx.msk $0xffff, v50;
	v35 =	vld.idx.msk [tilespmem:v0+s5+$0x0], $0xffff  }
0x20e: {  	v36 =	vld.idx.msk [tilespmem:v12+s11+$0x0], $0xffff;
	[tilespmem:v37+s17+$0x0] =	vst.idx.msk $0xffff, v31  }
0x20f: {  	v37 =	vld.idx.msk [tilespmem:v3+s11+$0x0], $0xffff;
	[tilespmem:v39+s17+$0x0] =	vst.idx.msk $0xffff, v33  }
0x210: {  	[tilespmem:v45+s17+$0x0] =	vst.idx.msk $0xffff, v34;
	v33 =	vld.idx.msk [tilespmem:v4+s8+$0x0], $0xffff  }
0x211: {  	v39 =	vor.u32 $0x180, v6;
	v34 =	vld.idx.msk [tilespmem:v2+s11+$0x0], $0xffff;
	[tilespmem:v22+s17+$0x0] =	vst.idx.msk $0xffff, v38;
	v22 =	vmov v53  }
0x212: {  	[tilespmem:v18+s17+$0x0] =	vst.idx.msk $0xffff, v32;
	v38 =	vld.idx.msk [tilespmem:v1+s5+$0x0], $0xffff;
	v18 =	vmov v51  }
0x213: {  	v41 =	vld.idx.msk [tilespmem:v5+s16+$0x0], $0xffff;
	[tilespmem:v17+s17+$0x0] =	vst.idx.msk $0xffff, v35;
	v17 =	vmov v52  }
0x214: {  	[tilespmem:v40+s17+$0x0] =	vst.idx.msk $0xffff, v36;
	v40 =	vld.idx.msk [tilespmem:v0+s16+$0x0], $0xffff  }
0x215: {  	v31 =	vld.idx.msk [tilespmem:v12+s8+$0x0], $0xffff;
	[tilespmem:v44+s17+$0x0] =	vst.idx.msk $0xffff, v37  }
.Ltmp2:
0x216: {  	v32 =	vld.idx.msk [tilespmem:v3+s8+$0x0], $0xffff;
	[tilespmem:v39+s17+$0x0] =	vst.idx.msk $0xffff, v33;
	(pc) =	sbr.rel @p0 .LBB2_7-.Ltmp2, $4  }
0x217: {  	[tilespmem:v46+s17+$0x0] =	vst.idx.msk $0xffff, v34;
	v34 =	vld.idx.msk [tilespmem:v4+s3+$0x0], $0xffff  }
0x218: {  	v37 =	vor.u32 $0x200, v6;
	v36 =	vld.idx.msk [tilespmem:v2+s8+$0x0], $0xffff;
	[tilespmem:v20+s17+$0x0] =	vst.idx.msk $0xffff, v38;
	v20 =	vmov v56  }
0x219: {  	[tilespmem:v15+s17+$0x0] =	vst.idx.msk $0xffff, v41;
	v33 =	vld.idx.msk [tilespmem:v1+s16+$0x0], $0xffff;
	v15 =	vmov v54  }
0x21a: {  	s6 =	sadd.s32 $0x200, s6;
	v35 =	vld.idx.msk [tilespmem:v5+s14+$0x0], $0xffff;
	[tilespmem:v14+s17+$0x0] =	vst.idx.msk $0xffff, v40;
	v5 =	vmov v12;
	v14 =	vmov v55  }
0x21b: {  	_ =	sdelay $0x3  }
0x21c: {  	[tilespmem:v28+s17+$0x0] =	vst.idx.msk $0xffff, v31  }
0x21d: {  	[tilespmem:v27+s17+$0x0] =	vst.idx.msk $0xffff, v32;
	v12 =	vld.idx.msk [tilespmem:v5+s3+$0x0], $0xffff  }
0x21e: {  	v27 =	vld.idx.msk [tilespmem:v3+s3+$0x0], $0xffff;
	[tilespmem:v30+s17+$0x0] =	vst.idx.msk $0xffff, v36  }
0x21f: {  	v28 =	vld.idx.msk [tilespmem:v2+s3+$0x0], $0xffff;
	_ =	sdelay $0x1  }
0x220: {  	[tilespmem:v37+s17+$0x0] =	vst.idx.msk $0xffff, v34  }
0x221: {  	v31 =	vor.u32 $0x280, v6;
	v30 =	vld.idx.msk [tilespmem:v4+s5+$0x0], $0xffff;
	[tilespmem:v21+s17+$0x0] =	vst.idx.msk $0xffff, v12  }
0x222: {  	[tilespmem:v19+s17+$0x0] =	vst.idx.msk $0xffff, v27;
	v12 =	vld.idx.msk [tilespmem:v5+s5+$0x0], $0xffff  }
0x223: {  	v19 =	vld.idx.msk [tilespmem:v3+s5+$0x0], $0xffff;
	[tilespmem:v22+s17+$0x0] =	vst.idx.msk $0xffff, v28  }
0x224: {  	[tilespmem:v7+s17+$0x0] =	vst.idx.msk $0xffff, v16;
	v21 =	vld.idx.msk [tilespmem:v2+s5+$0x0], $0xffff  }
0x225: {  	[tilespmem:v11+s17+$0x0] =	vst.idx.msk $0xffff, v35  }
0x226: {  	[tilespmem:v31+s17+$0x0] =	vst.idx.msk $0xffff, v30  }
0x227: {  	v27 =	vor.u32 $0x300, v6;
	v22 =	vld.idx.msk [tilespmem:v4+s16+$0x0], $0xffff;
	[tilespmem:v18+s17+$0x0] =	vst.idx.msk $0xffff, v12  }
0x228: {  	[tilespmem:v17+s17+$0x0] =	vst.idx.msk $0xffff, v19;
	v12 =	vld.idx.msk [tilespmem:v5+s16+$0x0], $0xffff  }
0x229: {  	v11 =	vld.idx.msk [tilespmem:v3+s16+$0x0], $0xffff;
	[tilespmem:v20+s17+$0x0] =	vst.idx.msk $0xffff, v21  }
0x22a: {  	[tilespmem:v13+s17+$0x0] =	vst.idx.msk $0xffff, v33;
	v13 =	vld.idx.msk [tilespmem:v2+s16+$0x0], $0xffff  }
0x22b: {  	[tilespmem:v9+s17+$0x0] =	vst.idx.msk $0xffff, v23;
	v0 =	vld.idx.msk [tilespmem:v0+s14+$0x0], $0xffff  }
0x22c: {  	v1 =	vld.idx.msk [tilespmem:v1+s14+$0x0], $0xffff;
	[tilespmem:v27+s17+$0x0] =	vst.idx.msk $0xffff, v22  }
0x22d: {  	v6 =	vor.u32 $0x380, v6;
	v4 =	vld.idx.msk [tilespmem:v4+s14+$0x0], $0xffff;
	[tilespmem:v15+s17+$0x0] =	vst.idx.msk $0xffff, v12  }
0x22e: {  	[tilespmem:v14+s17+$0x0] =	vst.idx.msk $0xffff, v11;
	v5 =	vld.idx.msk [tilespmem:v5+s14+$0x0], $0xffff  }
0x22f: {  	v3 =	vld.idx.msk [tilespmem:v3+s14+$0x0], $0xffff;
	[tilespmem:v29+s17+$0x0] =	vst.idx.msk $0xffff, v13  }
0x230: {  	[tilespmem:v8+s17+$0x0] =	vst.idx.msk $0xffff, v0;
	v2 =	vld.idx.msk [tilespmem:v2+s14+$0x0], $0xffff  }
0x231: {  	[tilespmem:v10+s17+$0x0] =	vst.idx.msk $0xffff, v1  }
0x232: {  	[tilespmem:v6+s17+$0x0] =	vst.idx.msk $0xffff, v4  }
0x233: {  	[tilespmem:v26+s17+$0x0] =	vst.idx.msk $0xffff, v5  }
0x234: {  	s10 =	sshll.u32 s2, $0x10;
	s11 =	rddreg [dreg:$0x7];
	[tilespmem:v24+s17+$0x0] =	vst.idx.msk $0xffff, v3  }
0x235: {  	s3 =	sadd.s32 s11, s10;
	[tilespmem:v25+s17+$0x0] =	vst.idx.msk $0xffff, v2  }
0x236: {  	s3 =	sshrl.u32 s3, $0x3;
	s13 =	rddreg [dreg:$0x6]  }
0x237: {  	s14 =	simm.s32 $0x2;
	s3 =	sadd.s32 s13, s3  }
0x238: {  	[hbm4b:s3+s1] =	stream.linear.scatter [tilespmem:s17], [sflag:$0x1], $0x8000, $0x38;
	[tilespmem:$0x1D800] =	vst v63  }
0x239: {  	_ =	swait.ge [sflag:s14], $0x8000  }
0x23a: {  	[sflag:s14] =	ssyncset.done $0x0  }
0x23b: {  	s15 =	simm.s32 $0x8100;
	[sflag:s14] =	ssyncadd.s32 $0xFFFF8000  }
0x23c: {  	s16 =	simm.s32 $0xAD00;
	v3 =	vld [tilespmem:s15+$0x80]  }
0x23d: {  	v0 =	vld [tilespmem:s16+$0x80];
	_ =	sdelay $0x3  }
0x23e: {  	s9 =	sshllo.u32 s2, $0x1;
	v2 =	vld [tilespmem:s15+$0xFFFFFF00]  }
0x23f: {  	s6 =	sshll.u32 s9, $0x9;
	v1 =	vld [tilespmem:s16+$0xFFFFFF00];
	v4 =	vshll.u32 v0, $0x3  }
0x240: {  	s10 =	sand.u32 $0x3FFFFE00, s6;
	v6 =	vld [tilespmem:s16+$0xFFFFFF80];
	v0 =	vand.u32 $0x7F, v0;
	v4 =	vand.u32 $0xFFFFFC00, v4  }
0x241: {  	v5 =	vor.u32 v0, v4;
	v8 =	vld.idx.msk [tilespmem:v3+s10+$0x0], $0xffff  }
0x242: {  	v10 =	vld [tilespmem:s15+$0xFFFFFF80];
	_ =	sdelay $0x1  }
0x243: {  	v7 =	vld [tilespmem:s15+$0x0]  }
0x244: {  	v9 =	vand.u32 $0x7F, v6;
	v0 =	vld [tilespmem:s16+$0x0];
	v4 =	vshll.u32 v1, $0x3  }
0x245: {  	s11 =	sor.u32 $0x40, s10;
	v6 =	vshll.u32 v6, $0x3;
	v1 =	vand.u32 $0x7F, v1;
	v4 =	vand.u32 $0xFFFFFC00, v4;
	[tilespmem:v5+s18+$0x0] =	vst.idx.msk $0xffff, v8  }
0x246: {  	v13 =	vor.u32 $0x80, v5;
	v11 =	vor.u32 v1, v4;
	v1 =	vand.u32 $0xFFFFFC00, v6;
	v6 =	vld.idx.msk [tilespmem:v3+s11+$0x0], $0xffff  }
0x247: {  	s6 =	simm.s32 $0x8300;
	v12 =	vld.idx.msk [tilespmem:v2+s10+$0x0], $0xffff  }
0x248: {  	v16 =	vld [tilespmem:s6+$0x80]  }
0x249: {  	s7 =	simm.s32 $0xAF00;
	v14 =	vld.idx.msk [tilespmem:v10+s10+$0x0], $0xffff;
	v4 =	vshll.u32 v0, $0x3;
	v8 =	vor.u32 v9, v1  }
0x24a: {  	v20 =	vld [tilespmem:s7+$0xFFFFFF80];
	v0 =	vand.u32 $0x7F, v0;
	v1 =	vand.u32 $0xFFFFFC00, v4  }
0x24b: {  	s8 =	sor.u32 $0x80, s10;
	v4 =	vld.idx.msk [tilespmem:v7+s10+$0x0], $0xffff;
	v9 =	vor.u32 v0, v1;
	[tilespmem:v13+s18+$0x0] =	vst.idx.msk $0xffff, v6  }
0x24c: {  	[tilespmem:v11+s18+$0x0] =	vst.idx.msk $0xffff, v12;
	v12 =	vor.u32 $0x100, v5;
	v6 =	vld.idx.msk [tilespmem:v3+s8+$0x0], $0xffff  }
0x24d: {  	v0 =	vor.u32 $0x80, v11;
	v1 =	vld.idx.msk [tilespmem:v2+s11+$0x0], $0xffff  }
0x24e: {  	v23 =	vld [tilespmem:s7+$0x0];
	[tilespmem:v8+s18+$0x0] =	vst.idx.msk $0xffff, v14  }
0x24f: {  	s15 =	simm.s32 $0xB100;
	v13 =	vor.u32 $0x80, v8;
	v14 =	vld.idx.msk [tilespmem:v10+s11+$0x0], $0xffff  }
0x250: {  	v29 =	vld [tilespmem:s15+$0xFFFFFF00];
	[tilespmem:v9+s18+$0x0] =	vst.idx.msk $0xffff, v4  }
0x251: {  	s3 =	sor.u32 $0xC0, s10;
	v4 =	vor.u32 $0x80, v9;
	v15 =	vld.idx.msk [tilespmem:v7+s11+$0x0], $0xffff;
	[tilespmem:v12+s18+$0x0] =	vst.idx.msk $0xffff, v6  }
0x252: {  	[tilespmem:v0+s18+$0x0] =	vst.idx.msk $0xffff, v1;
	v12 =	vor.u32 $0x180, v5;
	v6 =	vld.idx.msk [tilespmem:v3+s3+$0x0], $0xffff  }
0x253: {  	v0 =	vor.u32 $0x100, v11;
	v1 =	vld.idx.msk [tilespmem:v2+s8+$0x0], $0xffff  }
0x254: {  	v31 =	vld [tilespmem:s15+$0xFFFFFF80];
	[tilespmem:v13+s18+$0x0] =	vst.idx.msk $0xffff, v14  }
0x255: {  	v13 =	vor.u32 $0x100, v8;
	v14 =	vld.idx.msk [tilespmem:v10+s8+$0x0], $0xffff  }
0x256: {  	v61 =	vld [tilespmem:s15+$0x0];
	[tilespmem:v4+s18+$0x0] =	vst.idx.msk $0xffff, v15  }
0x257: {  	s5 =	sor.u32 $0x100, s10;
	v4 =	vor.u32 $0x100, v9;
	v15 =	vld.idx.msk [tilespmem:v7+s8+$0x0], $0xffff;
	[tilespmem:v12+s18+$0x0] =	vst.idx.msk $0xffff, v6  }
0x258: {  	[tilespmem:v0+s18+$0x0] =	vst.idx.msk $0xffff, v1;
	v6 =	vor.u32 $0x200, v5;
	v1 =	vld.idx.msk [tilespmem:v3+s5+$0x0], $0xffff  }
0x259: {  	v0 =	vld [tilespmem:s6+$0xFFFFFF80]  }
0x25a: {  	[tilespmem:v13+s18+$0x0] =	vst.idx.msk $0xffff, v14;
	v13 =	vld [tilespmem:s7+$0x80]  }
0x25b: {  	v12 =	vld [tilespmem:s6+$0xFFFFFF00]  }
0x25c: {  	[tilespmem:v4+s18+$0x0] =	vst.idx.msk $0xffff, v15;
	v15 =	vld [tilespmem:s7+$0xFFFFFF00]  }
0x25d: {  	s16 =	sor.u32 $0x140, s10;
	[tilespmem:v6+s18+$0x0] =	vst.idx.msk $0xffff, v1;
	v1 =	vld [tilespmem:s6+$0x0]  }
0x25e: {  	v14 =	vor.u32 $0x280, v5;
	v6 =	vld.idx.msk [tilespmem:v3+s16+$0x0], $0xffff  }
0x25f: {  	v22 =	vld.idx.msk [tilespmem:v16+s10+$0x0], $0xffff  }
0x260: {  	v21 =	vor.u32 $0x180, v11;
	v18 =	vld.idx.msk [tilespmem:v2+s3+$0x0], $0xffff;
	v17 =	vshll.u32 v13, $0x3  }
0x261: {  	v25 =	vor.u32 $0x180, v9;
	v4 =	vld.idx.msk [tilespmem:v7+s3+$0x0], $0xffff;
	v13 =	vand.u32 $0x7F, v13;
	v17 =	vand.u32 $0xFFFFFC00, v17  }
0x262: {  	v19 =	vld.idx.msk [tilespmem:v10+s3+$0x0], $0xffff;
	v17 =	vor.u32 v13, v17  }
0x263: {  	s14 =	sor.u32 $0x180, s10;
	v27 =	vor.u32 $0x300, v5;
	v26 =	vld.idx.msk [tilespmem:v0+s10+$0x0], $0xffff;
	v13 =	vshll.u32 v15, $0x3;
	[tilespmem:v14+s18+$0x0] =	vst.idx.msk $0xffff, v6;
	v6 =	vor.u32 $0x180, v8  }
0x264: {  	v13 =	vand.u32 $0xFFFFFC00, v13;
	v14 =	vand.u32 $0x7F, v15;
	v15 =	vshll.u32 v20, $0x3;
	v24 =	vld.idx.msk [tilespmem:v3+s14+$0x0], $0xffff  }
0x265: {  	[tilespmem:v21+s18+$0x0] =	vst.idx.msk $0xffff, v18;
	v18 =	vand.u32 $0x7F, v20;
	v20 =	vld.idx.msk [tilespmem:v12+s10+$0x0], $0xffff;
	v13 =	vor.u32 v14, v13;
	v14 =	vand.u32 $0xFFFFFC00, v15  }
0x266: {  	[tilespmem:v25+s18+$0x0] =	vst.idx.msk $0xffff, v4;
	v28 =	vld.idx.msk [tilespmem:v1+s10+$0x0], $0xffff;
	v14 =	vor.u32 v18, v14  }
0x267: {  	[tilespmem:v17+s18+$0x0] =	vst.idx.msk $0xffff, v22;
	v22 =	vor.u32 $0x200, v11;
	v15 =	vshll.u32 v23, $0x3;
	v18 =	vld.idx.msk [tilespmem:v2+s5+$0x0], $0xffff  }
0x268: {  	v21 =	vor.u32 $0x80, v17;
	v15 =	vand.u32 $0xFFFFFC00, v15;
	[tilespmem:v6+s18+$0x0] =	vst.idx.msk $0xffff, v19;
	v6 =	vand.u32 $0x7F, v23;
	v19 =	vld.idx.msk [tilespmem:v16+s11+$0x0], $0xffff  }
0x269: {  	s13 =	sor.u32 $0x1C0, s10;
	v15 =	vor.u32 v6, v15;
	v6 =	vld.idx.msk [tilespmem:v10+s5+$0x0], $0xffff;
	[tilespmem:v27+s18+$0x0] =	vst.idx.msk $0xffff, v24  }
0x26a: {  	[tilespmem:v13+s18+$0x0] =	vst.idx.msk $0xffff, v20;
	v23 =	vld.idx.msk [tilespmem:v3+s13+$0x0], $0xffff;
	v3 =	vor.u32 $0x200, v8  }
0x26b: {  	v20 =	vor.u32 $0x80, v13;
	v24 =	vld.idx.msk [tilespmem:v12+s11+$0x0], $0xffff;
	[tilespmem:v14+s18+$0x0] =	vst.idx.msk $0xffff, v26  }
0x26c: {  	v4 =	vld.idx.msk [tilespmem:v7+s5+$0x0], $0xffff;
	[tilespmem:v22+s18+$0x0] =	vst.idx.msk $0xffff, v18;
	v18 =	vor.u32 $0x200, v9  }
0x26d: {  	v25 =	vor.u32 $0x80, v14;
	v26 =	vld.idx.msk [tilespmem:v0+s11+$0x0], $0xffff;
	[tilespmem:v21+s18+$0x0] =	vst.idx.msk $0xffff, v19  }
0x26e: {  	v21 =	vor.u32 $0x100, v17;
	[tilespmem:v15+s18+$0x0] =	vst.idx.msk $0xffff, v28;
	v19 =	vld.idx.msk [tilespmem:v16+s8+$0x0], $0xffff  }
0x26f: {  	v27 =	vor.u32 $0x80, v15;
	v28 =	vld.idx.msk [tilespmem:v1+s11+$0x0], $0xffff;
	[tilespmem:v3+s18+$0x0] =	vst.idx.msk $0xffff, v6  }
0x270: {  	v22 =	vld.idx.msk [tilespmem:v2+s16+$0x0], $0xffff;
	v3 =	vor.u32 $0x280, v11;
	[tilespmem:v20+s18+$0x0] =	vst.idx.msk $0xffff, v24  }
0x271: {  	[tilespmem:v18+s18+$0x0] =	vst.idx.msk $0xffff, v4;
	v6 =	vld.idx.msk [tilespmem:v10+s16+$0x0], $0xffff  }
0x272: {  	v20 =	vor.u32 $0x280, v8;
	v24 =	vld.idx.msk [tilespmem:v12+s8+$0x0], $0xffff;
	[tilespmem:v25+s18+$0x0] =	vst.idx.msk $0xffff, v26  }
0x273: {  	v25 =	vor.u32 $0x100, v13;
	v26 =	vld.idx.msk [tilespmem:v0+s8+$0x0], $0xffff;
	[tilespmem:v21+s18+$0x0] =	vst.idx.msk $0xffff, v19  }
0x274: {  	[tilespmem:v27+s18+$0x0] =	vst.idx.msk $0xffff, v28;
	v21 =	vld.idx.msk [tilespmem:v16+s3+$0x0], $0xffff;
	v28 =	vor.u32 $0x180, v17  }
0x275: {  	v19 =	vor.u32 $0x100, v14;
	[tilespmem:v3+s18+$0x0] =	vst.idx.msk $0xffff, v22;
	v3 =	vld.idx.msk [tilespmem:v7+s16+$0x0], $0xffff  }
0x276: {  	v27 =	vld.idx.msk [tilespmem:v1+s8+$0x0], $0xffff  }
0x277: {  	v4 =	vor.u32 $0x100, v15;
	v22 =	vld.idx.msk [tilespmem:v2+s14+$0x0], $0xffff;
	[tilespmem:v20+s18+$0x0] =	vst.idx.msk $0xffff, v6  }
0x278: {  	v6 =	vor.u32 $0x300, v11;
	[tilespmem:v25+s18+$0x0] =	vst.idx.msk $0xffff, v24;
	v20 =	vld.idx.msk [tilespmem:v10+s14+$0x0], $0xffff  }
0x279: {  	v18 =	vor.u32 $0x280, v9;
	v24 =	vld.idx.msk [tilespmem:v12+s3+$0x0], $0xffff;
	[tilespmem:v28+s18+$0x0] =	vst.idx.msk $0xffff, v21  }
0x27a: {  	[tilespmem:v19+s18+$0x0] =	vst.idx.msk $0xffff, v26;
	v26 =	vor.u32 $0x200, v17;
	v21 =	vld.idx.msk [tilespmem:v16+s5+$0x0], $0xffff  }
0x27b: {  	s7 =	simm.s32 $0x8500;
	v19 =	vld.idx.msk [tilespmem:v0+s3+$0x0], $0xffff  }
0x27c: {  	[tilespmem:v4+s18+$0x0] =	vst.idx.msk $0xffff, v27;
	v4 =	vld [tilespmem:s7+$0x80]  }
0x27d: {  	[tilespmem:v6+s18+$0x0] =	vst.idx.msk $0xffff, v22;
	v6 =	vld [tilespmem:s15+$0x80]  }
0x27e: {  	v30 =	vor.u32 $0x180, v13;
	[tilespmem:v18+s18+$0x0] =	vst.idx.msk $0xffff, v3;
	v3 =	vld [tilespmem:s7+$0xFFFFFF80]  }
0x27f: {  	v59 =	vor.u32 $0x180, v14;
	v18 =	vld.idx.msk [tilespmem:v7+s14+$0x0], $0xffff;
	[tilespmem:v26+s18+$0x0] =	vst.idx.msk $0xffff, v21  }
0x280: {  	v26 =	vor.u32 $0x280, v17;
	v21 =	vld.idx.msk [tilespmem:v16+s16+$0x0], $0xffff  }
0x281: {  	v27 =	vor.u32 $0x380, v5;
	v5 =	vld [tilespmem:s7+$0xFFFFFF00]  }
0x282: {  	v11 =	vor.u32 $0x380, v11;
	v28 =	vor.u32 $0x300, v8;
	v25 =	vld.idx.msk [tilespmem:v1+s3+$0x0], $0xffff;
	v58 =	vshll.u32 v6, $0x3  }
0x283: {  	v22 =	vld.idx.msk [tilespmem:v2+s13+$0x0], $0xffff;
	[tilespmem:v30+s18+$0x0] =	vst.idx.msk $0xffff, v24;
	v24 =	vshll.u32 v29, $0x3;
	v6 =	vand.u32 $0x7F, v6;
	v32 =	vand.u32 $0xFFFFFC00, v58  }
0x284: {  	v24 =	vand.u32 $0xFFFFFC00, v24;
	[tilespmem:v59+s18+$0x0] =	vst.idx.msk $0xffff, v19;
	v6 =	vor.u32 v6, v32;
	v60 =	vld.idx.msk [tilespmem:v4+s10+$0x0], $0xffff  }
0x285: {  	v2 =	vld [tilespmem:s7+$0x0];
	v19 =	vand.u32 $0x7F, v29;
	v29 =	vshll.u32 v31, $0x3;
	[tilespmem:v26+s18+$0x0] =	vst.idx.msk $0xffff, v21;
	v21 =	vor.u32 $0x180, v15  }
0x286: {  	[tilespmem:v27+s18+$0x0] =	vst.idx.msk $0xffff, v23;
	v27 =	vor.u32 $0x300, v9;
	v24 =	vor.u32 v19, v24;
	v19 =	vand.u32 $0xFFFFFC00, v29;
	v29 =	vld.idx.msk [tilespmem:v12+s5+$0x0], $0xffff  }
0x287: {  	[tilespmem:v28+s18+$0x0] =	vst.idx.msk $0xffff, v20;
	v26 =	vor.u32 $0x300, v17;
	v23 =	vld.idx.msk [tilespmem:v16+s14+$0x0], $0xffff  }
0x288: {  	[tilespmem:v11+s18+$0x0] =	vst.idx.msk $0xffff, v22;
	v20 =	vld.idx.msk [tilespmem:v3+s10+$0x0], $0xffff  }
0x289: {  	v31 =	vand.u32 $0x7F, v31;
	v30 =	vld.idx.msk [tilespmem:v5+s10+$0x0], $0xffff;
	[tilespmem:v6+s18+$0x0] =	vst.idx.msk $0xffff, v60  }
0x28a: {  	[tilespmem:v21+s18+$0x0] =	vst.idx.msk $0xffff, v25;
	v25 =	vor.u32 v31, v19;
	v21 =	vld.idx.msk [tilespmem:v4+s11+$0x0], $0xffff  }
0x28b: {  	v32 =	vor.u32 $0x80, v6;
	[tilespmem:v27+s18+$0x0] =	vst.idx.msk $0xffff, v18;
	v19 =	vshll.u32 v61, $0x3;
	v11 =	vld.idx.msk [tilespmem:v1+s5+$0x0], $0xffff  }
0x28c: {  	v31 =	vand.u32 $0x7F, v61;
	v19 =	vand.u32 $0xFFFFFC00, v19;
	[tilespmem:v26+s18+$0x0] =	vst.idx.msk $0xffff, v23;
	v23 =	vld.idx.msk [tilespmem:v7+s13+$0x0], $0xffff;
	v7 =	vor.u32 $0x200, v15  }
0x28d: {  	v28 =	vld.idx.msk [tilespmem:v2+s10+$0x0], $0xffff;
	v35 =	vor.u32 v31, v19  }
0x28e: {  	v17 =	vor.u32 $0x380, v17;
	[tilespmem:v24+s18+$0x0] =	vst.idx.msk $0xffff, v30;
	v18 =	vld.idx.msk [tilespmem:v16+s13+$0x0], $0xffff  }
0x28f: {  	v33 =	vld.idx.msk [tilespmem:v0+s5+$0x0], $0xffff;
	v19 =	vor.u32 $0x200, v13;
	[tilespmem:v25+s18+$0x0] =	vst.idx.msk $0xffff, v20  }
0x290: {  	v16 =	vld.idx.msk [tilespmem:v10+s13+$0x0], $0xffff;
	v10 =	vor.u32 $0x200, v14;
	[tilespmem:v32+s18+$0x0] =	vst.idx.msk $0xffff, v21  }
0x291: {  	v22 =	vld.idx.msk [tilespmem:v5+s11+$0x0], $0xffff;
	v20 =	vor.u32 $0x80, v24;
	[tilespmem:v7+s18+$0x0] =	vst.idx.msk $0xffff, v11  }
0x292: {  	v21 =	vor.u32 $0x80, v25;
	v26 =	vld.idx.msk [tilespmem:v3+s11+$0x0], $0xffff;
	[tilespmem:v35+s18+$0x0] =	vst.idx.msk $0xffff, v28  }
0x293: {  	v30 =	vor.u32 $0x100, v6;
	v27 =	vld.idx.msk [tilespmem:v4+s8+$0x0], $0xffff;
	[tilespmem:v17+s18+$0x0] =	vst.idx.msk $0xffff, v18  }
0x294: {  	v39 =	vor.u32 $0x280, v15;
	[tilespmem:v19+s18+$0x0] =	vst.idx.msk $0xffff, v29;
	v63 =	vld.idx.msk [tilespmem:v1+s16+$0x0], $0xffff  }
0x295: {  	v17 =	vor.u32 $0x80, v35;
	[tilespmem:v10+s18+$0x0] =	vst.idx.msk $0xffff, v33;
	v28 =	vld.idx.msk [tilespmem:v2+s11+$0x0], $0xffff  }
0x296: {  	v18 =	vld.idx.msk [tilespmem:v12+s16+$0x0], $0xffff;
	[tilespmem:v20+s18+$0x0] =	vst.idx.msk $0xffff, v22  }
0x297: {  	v10 =	vor.u32 $0x280, v13;
	v19 =	vld.idx.msk [tilespmem:v0+s16+$0x0], $0xffff;
	[tilespmem:v21+s18+$0x0] =	vst.idx.msk $0xffff, v26  }
0x298: {  	v20 =	vor.u32 $0x280, v14;
	v22 =	vld.idx.msk [tilespmem:v5+s8+$0x0], $0xffff;
	[tilespmem:v30+s18+$0x0] =	vst.idx.msk $0xffff, v27  }
0x299: {  	v21 =	vor.u32 $0x100, v24;
	v26 =	vld.idx.msk [tilespmem:v3+s8+$0x0], $0xffff;
	[tilespmem:v39+s18+$0x0] =	vst.idx.msk $0xffff, v63  }
0x29a: {  	v27 =	vor.u32 $0x100, v25;
	[tilespmem:v17+s18+$0x0] =	vst.idx.msk $0xffff, v28;
	v17 =	vld.idx.msk [tilespmem:v4+s3+$0x0], $0xffff  }
0x29b: {  	v38 =	vor.u32 $0x300, v13;
	v30 =	vor.u32 $0x180, v6;
	v33 =	vld.idx.msk [tilespmem:v1+s14+$0x0], $0xffff  }
0x29c: {  	v41 =	vor.u32 $0x300, v14;
	v9 =	vor.u32 $0x380, v9;
	v62 =	vor.u32 $0x100, v35;
	[tilespmem:v10+s18+$0x0] =	vst.idx.msk $0xffff, v18;
	v29 =	vld.idx.msk [tilespmem:v2+s8+$0x0], $0xffff  }
0x29d: {  	v37 =	vor.u32 $0x200, v6;
	v7 =	vor.u32 $0x380, v8;
	v11 =	vor.u32 $0x380, v13;
	v40 =	vld.idx.msk [tilespmem:v12+s14+$0x0], $0xffff;
	[tilespmem:v20+s18+$0x0] =	vst.idx.msk $0xffff, v19  }
0x29e: {  	v8 =	vor.u32 $0x380, v14;
	v13 =	vor.u32 $0x300, v15;
	v14 =	vor.u32 $0x300, v25;
	[tilespmem:v21+s18+$0x0] =	vst.idx.msk $0xffff, v22;
	v42 =	vld.idx.msk [tilespmem:v0+s14+$0x0], $0xffff  }
0x29f: {  	v10 =	vor.u32 $0x380, v15;
	v28 =	vor.u32 $0x180, v24;
	v18 =	vor.u32 $0x280, v24;
	v31 =	vld.idx.msk [tilespmem:v5+s3+$0x0], $0xffff;
	[tilespmem:v27+s18+$0x0] =	vst.idx.msk $0xffff, v26  }
0x2a0: {  	v15 =	vor.u32 $0x300, v24;
	v19 =	vor.u32 $0x200, v25;
	v27 =	vor.u32 $0x180, v25;
	v32 =	vld.idx.msk [tilespmem:v3+s3+$0x0], $0xffff;
	[tilespmem:v30+s18+$0x0] =	vst.idx.msk $0xffff, v17  }
0x2a1: {  	v20 =	vor.u32 $0x280, v35;
	v21 =	vor.u32 $0x200, v24;
	v22 =	vor.u32 $0x200, v35;
	[tilespmem:v62+s18+$0x0] =	vst.idx.msk $0xffff, v29;
	v34 =	vld.idx.msk [tilespmem:v4+s5+$0x0], $0xffff  }
0x2a2: {  	v26 =	vor.u32 $0x380, v24;
	v24 =	vor.u32 $0x380, v25;
	v30 =	vor.u32 $0x180, v35;
	[tilespmem:v38+s18+$0x0] =	vst.idx.msk $0xffff, v40;
	v36 =	vld.idx.msk [tilespmem:v2+s3+$0x0], $0xffff  }
0x2a3: {  	s6 =	simm.s32 $0x8;
	s7 =	simm.s32 $0x8700;
	v17 =	vor.u32 $0x280, v25;
	v25 =	vor.u32 $0x380, v35;
	v29 =	vor.u32 $0x300, v35;
	v35 =	vld.idx.msk [tilespmem:v12+s13+$0x0], $0xffff;
	[tilespmem:v41+s18+$0x0] =	vst.idx.msk $0xffff, v42  }
.LBB2_9:
0x2a4: {  	v38 =	vld [tilespmem:s7+$0x80];
	s6 =	sadd.s32 $0x4, s6;
	[tilespmem:v28+s18+$0x0] =	vst.idx.msk $0xffff, v31  }
0x2a5: {  	s15 =	sadd.s32 $0x200, s15;
	v31 =	vld [tilespmem:s7+$0xFFFFFF80];
	p0 =	slt.u32 s6, $0x50;
	[tilespmem:v27+s18+$0x0] =	vst.idx.msk $0xffff, v32  }
0x2a6: {  	v27 =	vld [tilespmem:s15+$0x80];
	[tilespmem:v37+s18+$0x0] =	vst.idx.msk $0xffff, v34  }
0x2a7: {  	[tilespmem:v30+s18+$0x0] =	vst.idx.msk $0xffff, v36;
	v28 =	vld.idx.msk [tilespmem:v4+s16+$0x0], $0xffff  }
0x2a8: {  	v30 =	vor.u32 $0x280, v6;
	v32 =	vld [tilespmem:s7+$0x0];
	[tilespmem:v13+s18+$0x0] =	vst.idx.msk $0xffff, v33;
	v13 =	vmov v29  }
0x2a9: {  	v12 =	vld [tilespmem:s7+$0xFFFFFF00];
	[tilespmem:v11+s18+$0x0] =	vst.idx.msk $0xffff, v35;
	v11 =	vmov v26  }
0x2aa: {  	v26 =	vld [tilespmem:s15+$0xFFFFFF00];
	[tilespmem:v7+s18+$0x0] =	vst.idx.msk $0xffff, v16;
	v7 =	vmov v8;
	v8 =	vmov v24  }
0x2ab: {  	v16 =	vld [tilespmem:s15+$0xFFFFFF80];
	v24 =	vshll.u32 v27, $0x3;
	[tilespmem:v9+s18+$0x0] =	vst.idx.msk $0xffff, v23;
	v9 =	vmov v10;
	v10 =	vmov v25  }
0x2ac: {  	v25 =	vand.u32 $0x7F, v27;
	v23 =	vld.idx.msk [tilespmem:v38+s10+$0x0], $0xffff;
	v24 =	vand.u32 $0xFFFFFC00, v24  }
0x2ad: {  	v27 =	vld [tilespmem:s15+$0x0];
	v24 =	vor.u32 v25, v24;
	[tilespmem:v30+s18+$0x0] =	vst.idx.msk $0xffff, v28  }
0x2ae: {  	v25 =	vld.idx.msk [tilespmem:v4+s14+$0x0], $0xffff  }
0x2af: {  	v30 =	vor.u32 $0x300, v6;
	v28 =	vand.u32 $0x7F, v26;
	v26 =	vshll.u32 v26, $0x3;
	v29 =	vld.idx.msk [tilespmem:v31+s10+$0x0], $0xffff  }
0x2b0: {  	v26 =	vand.u32 $0xFFFFFC00, v26;
	v33 =	vand.u32 $0x7F, v16;
	v16 =	vshll.u32 v16, $0x3;
	v34 =	vld.idx.msk [tilespmem:v32+s10+$0x0], $0xffff  }
0x2b1: {  	v35 =	vld.idx.msk [tilespmem:v12+s10+$0x0], $0xffff;
	v26 =	vor.u32 v28, v26;
	v16 =	vand.u32 $0xFFFFFC00, v16  }
0x2b2: {  	v33 =	vor.u32 v33, v16;
	v16 =	vand.u32 $0x7F, v27;
	v27 =	vshll.u32 v27, $0x3;
	[tilespmem:v24+s18+$0x0] =	vst.idx.msk $0xffff, v23;
	v23 =	vld.idx.msk [tilespmem:v5+s5+$0x0], $0xffff  }
0x2b3: {  	v36 =	vor.u32 $0x80, v26;
	v37 =	vor.u32 $0x80, v33;
	v27 =	vand.u32 $0xFFFFFC00, v27;
	v39 =	vld.idx.msk [tilespmem:v38+s11+$0x0], $0xffff  }
0x2b4: {  	v42 =	vor.u32 $0x80, v24;
	v40 =	vor.u32 $0x100, v26;
	v41 =	vor.u32 v16, v27;
	v43 =	vld.idx.msk [tilespmem:v3+s5+$0x0], $0xffff;
	[tilespmem:v30+s18+$0x0] =	vst.idx.msk $0xffff, v25  }
0x2b5: {  	v44 =	vor.u32 $0x100, v33;
	v45 =	vor.u32 $0x80, v41;
	v46 =	vor.u32 $0x100, v41;
	v47 =	vld.idx.msk [tilespmem:v4+s13+$0x0], $0xffff;
	v4 =	vmovc v38  }
0x2b6: {  	v48 =	vor.u32 $0x380, v6;
	v6 =	vmovc v24;
	v28 =	vor.u32 $0x180, v26;
	v27 =	vor.u32 $0x180, v33;
	v38 =	vld.idx.msk [tilespmem:v2+s5+$0x0], $0xffff  }
0x2b7: {  	v49 =	vor.u32 $0x200, v33;
	v30 =	vor.u32 $0x180, v41;
	[tilespmem:v26+s18+$0x0] =	vst.idx.msk $0xffff, v35;
	v35 =	vor.u32 $0x200, v26;
	v16 =	vld.idx.msk [tilespmem:v0+s13+$0x0], $0xffff;
	v0 =	vmovc v3  }
0x2b8: {  	v51 =	vor.u32 $0x280, v26;
	v52 =	vor.u32 $0x280, v33;
	v53 =	vor.u32 $0x200, v41;
	v3 =	vmovc v31;
	v50 =	vld.idx.msk [tilespmem:v12+s11+$0x0], $0xffff;
	[tilespmem:v33+s18+$0x0] =	vst.idx.msk $0xffff, v29  }
0x2b9: {  	v54 =	vor.u32 $0x300, v26;
	v55 =	vor.u32 $0x300, v33;
	v56 =	vor.u32 $0x280, v41;
	v31 =	vld.idx.msk [tilespmem:v31+s11+$0x0], $0xffff;
	[tilespmem:v42+s18+$0x0] =	vst.idx.msk $0xffff, v39  }
0x2ba: {  	v24 =	vor.u32 $0x380, v33;
	v26 =	vor.u32 $0x380, v26;
	v29 =	vor.u32 $0x300, v41;
	[tilespmem:v41+s18+$0x0] =	vst.idx.msk $0xffff, v34;
	v33 =	vld.idx.msk [tilespmem:v4+s8+$0x0], $0xffff  }
0x2bb: {  	v25 =	vor.u32 $0x380, v41;
	v39 =	vor.u32 $0x100, v6;
	v34 =	vld.idx.msk [tilespmem:v32+s11+$0x0], $0xffff;
	[tilespmem:v48+s18+$0x0] =	vst.idx.msk $0xffff, v47  }
0x2bc: {  	[tilespmem:v21+s18+$0x0] =	vst.idx.msk $0xffff, v23;
	v23 =	vld.idx.msk [tilespmem:v1+s13+$0x0], $0xffff;
	v1 =	vmov v2;
	v2 =	vmov v32;
	v21 =	vmov v35  }
0x2bd: {  	v32 =	vld.idx.msk [tilespmem:v5+s16+$0x0], $0xffff;
	[tilespmem:v19+s18+$0x0] =	vst.idx.msk $0xffff, v43;
	v19 =	vmov v49  }
0x2be: {  	[tilespmem:v36+s18+$0x0] =	vst.idx.msk $0xffff, v50;
	v35 =	vld.idx.msk [tilespmem:v0+s16+$0x0], $0xffff  }
0x2bf: {  	v36 =	vld.idx.msk [tilespmem:v12+s8+$0x0], $0xffff;
	[tilespmem:v37+s18+$0x0] =	vst.idx.msk $0xffff, v31  }
0x2c0: {  	v37 =	vld.idx.msk [tilespmem:v3+s8+$0x0], $0xffff;
	[tilespmem:v39+s18+$0x0] =	vst.idx.msk $0xffff, v33  }
0x2c1: {  	[tilespmem:v45+s18+$0x0] =	vst.idx.msk $0xffff, v34;
	v33 =	vld.idx.msk [tilespmem:v4+s3+$0x0], $0xffff  }
0x2c2: {  	v39 =	vor.u32 $0x180, v6;
	v34 =	vld.idx.msk [tilespmem:v2+s8+$0x0], $0xffff;
	[tilespmem:v22+s18+$0x0] =	vst.idx.msk $0xffff, v38;
	v22 =	vmov v53  }
0x2c3: {  	[tilespmem:v18+s18+$0x0] =	vst.idx.msk $0xffff, v32;
	v38 =	vld.idx.msk [tilespmem:v1+s16+$0x0], $0xffff;
	v18 =	vmov v51  }
0x2c4: {  	v41 =	vld.idx.msk [tilespmem:v5+s14+$0x0], $0xffff;
	[tilespmem:v17+s18+$0x0] =	vst.idx.msk $0xffff, v35;
	v17 =	vmov v52  }
0x2c5: {  	[tilespmem:v40+s18+$0x0] =	vst.idx.msk $0xffff, v36;
	v40 =	vld.idx.msk [tilespmem:v0+s14+$0x0], $0xffff  }
0x2c6: {  	v31 =	vld.idx.msk [tilespmem:v12+s3+$0x0], $0xffff;
	[tilespmem:v44+s18+$0x0] =	vst.idx.msk $0xffff, v37  }
.Ltmp3:
0x2c7: {  	v32 =	vld.idx.msk [tilespmem:v3+s3+$0x0], $0xffff;
	[tilespmem:v39+s18+$0x0] =	vst.idx.msk $0xffff, v33;
	(pc) =	sbr.rel @p0 .LBB2_9-.Ltmp3, $4  }
0x2c8: {  	[tilespmem:v46+s18+$0x0] =	vst.idx.msk $0xffff, v34;
	v34 =	vld.idx.msk [tilespmem:v4+s5+$0x0], $0xffff  }
0x2c9: {  	v37 =	vor.u32 $0x200, v6;
	v36 =	vld.idx.msk [tilespmem:v2+s3+$0x0], $0xffff;
	[tilespmem:v20+s18+$0x0] =	vst.idx.msk $0xffff, v38;
	v20 =	vmov v56  }
0x2ca: {  	[tilespmem:v15+s18+$0x0] =	vst.idx.msk $0xffff, v41;
	v33 =	vld.idx.msk [tilespmem:v1+s14+$0x0], $0xffff;
	v15 =	vmov v54  }
0x2cb: {  	s7 =	sadd.s32 $0x200, s7;
	v35 =	vld.idx.msk [tilespmem:v5+s13+$0x0], $0xffff;
	[tilespmem:v14+s18+$0x0] =	vst.idx.msk $0xffff, v40;
	v5 =	vmov v12;
	v14 =	vmov v55  }
0x2cc: {  	_ =	sdelay $0x3  }
0x2cd: {  	[tilespmem:v28+s18+$0x0] =	vst.idx.msk $0xffff, v31  }
0x2ce: {  	[tilespmem:v27+s18+$0x0] =	vst.idx.msk $0xffff, v32;
	v12 =	vld.idx.msk [tilespmem:v5+s5+$0x0], $0xffff  }
0x2cf: {  	v27 =	vld.idx.msk [tilespmem:v3+s5+$0x0], $0xffff;
	[tilespmem:v30+s18+$0x0] =	vst.idx.msk $0xffff, v36  }
0x2d0: {  	v51 =	vld.idx.msk [tilespmem:v2+s5+$0x0], $0xffff;
	_ =	sdelay $0x1  }
0x2d1: {  	[tilespmem:v37+s18+$0x0] =	vst.idx.msk $0xffff, v34  }
0x2d2: {  	v53 =	vor.u32 $0x280, v6;
	v52 =	vld.idx.msk [tilespmem:v4+s16+$0x0], $0xffff;
	[tilespmem:v21+s18+$0x0] =	vst.idx.msk $0xffff, v12  }
0x2d3: {  	[tilespmem:v19+s18+$0x0] =	vst.idx.msk $0xffff, v27;
	v12 =	vld.idx.msk [tilespmem:v5+s16+$0x0], $0xffff  }
0x2d4: {  	v19 =	vld.idx.msk [tilespmem:v3+s16+$0x0], $0xffff;
	[tilespmem:v22+s18+$0x0] =	vst.idx.msk $0xffff, v51  }
0x2d5: {  	[tilespmem:v7+s18+$0x0] =	vst.idx.msk $0xffff, v16;
	v54 =	vld.idx.msk [tilespmem:v2+s16+$0x0], $0xffff  }
0x2d6: {  	[tilespmem:v9+s18+$0x0] =	vst.idx.msk $0xffff, v23  }
0x2d7: {  	[tilespmem:v53+s18+$0x0] =	vst.idx.msk $0xffff, v52  }
0x2d8: {  	v56 =	vor.u32 $0x300, v6;
	v55 =	vld.idx.msk [tilespmem:v4+s14+$0x0], $0xffff;
	[tilespmem:v18+s18+$0x0] =	vst.idx.msk $0xffff, v12  }
0x2d9: {  	[tilespmem:v17+s18+$0x0] =	vst.idx.msk $0xffff, v19;
	v12 =	vld.idx.msk [tilespmem:v5+s14+$0x0], $0xffff  }
0x2da: {  	v57 =	vld.idx.msk [tilespmem:v3+s14+$0x0], $0xffff;
	[tilespmem:v20+s18+$0x0] =	vst.idx.msk $0xffff, v54  }
0x2db: {  	[tilespmem:v13+s18+$0x0] =	vst.idx.msk $0xffff, v33;
	v58 =	vld.idx.msk [tilespmem:v2+s14+$0x0], $0xffff  }
0x2dc: {  	v0 =	vld.idx.msk [tilespmem:v0+s13+$0x0], $0xffff;
	[tilespmem:v11+s18+$0x0] =	vst.idx.msk $0xffff, v35  }
0x2dd: {  	v1 =	vld.idx.msk [tilespmem:v1+s13+$0x0], $0xffff;
	[tilespmem:v56+s18+$0x0] =	vst.idx.msk $0xffff, v55  }
0x2de: {  	v60 =	vor.u32 $0x380, v6;
	v59 =	vld.idx.msk [tilespmem:v4+s13+$0x0], $0xffff;
	[tilespmem:v15+s18+$0x0] =	vst.idx.msk $0xffff, v12  }
0x2df: {  	[tilespmem:v14+s18+$0x0] =	vst.idx.msk $0xffff, v57;
	v61 =	vld.idx.msk [tilespmem:v5+s13+$0x0], $0xffff  }
0x2e0: {  	v62 =	vld.idx.msk [tilespmem:v3+s13+$0x0], $0xffff;
	[tilespmem:v29+s18+$0x0] =	vst.idx.msk $0xffff, v58  }
0x2e1: {  	[tilespmem:v8+s18+$0x0] =	vst.idx.msk $0xffff, v0;
	v63 =	vld.idx.msk [tilespmem:v2+s13+$0x0], $0xffff  }
0x2e2: {  	[tilespmem:v10+s18+$0x0] =	vst.idx.msk $0xffff, v1  }
0x2e3: {  	s2 =	sadd.s32 $0x1, s2;
	[tilespmem:v60+s18+$0x0] =	vst.idx.msk $0xffff, v59  }
0x2e4: {  	p0 =	sne.s32 s2, $0x20;
	[tilespmem:v26+s18+$0x0] =	vst.idx.msk $0xffff, v61  }
.Ltmp4:
0x2e5: {  	s3 =	sshll.u32 s9, $0xF;
	s15 =	rddreg [dreg:$0x7];
	[tilespmem:v24+s18+$0x0] =	vst.idx.msk $0xffff, v62;
	(pc) =	sbr.rel @p0 .LBB2_6-.Ltmp4, $4  }
0x2e6: {  	s3 =	sadd.s32 s15, s3;
	[tilespmem:v25+s18+$0x0] =	vst.idx.msk $0xffff, v63  }
0x2e7: {  	s3 =	sshrl.u32 s3, $0x3;
	s16 =	rddreg [dreg:$0x6]  }
0x2e8: {  	s3 =	sadd.s32 s16, s3  }
0x2e9: {  	[hbm4b:s3+s1] =	stream.linear.scatter [tilespmem:s18], [sflag:$0x2], $0x8000, $0x38;
	[tilespmem:$0x1D800] =	vst v63  }
0x2ea: {  	s2 =	simm.s32 $0x1  }
0x2eb: {  	_ =	swait.ge [sflag:s2], $0x8000  }
0x2ec: {  	[sflag:s2] =	ssyncset.done $0x0  }
0x2ed: {  	s3 =	simm.s32 $0x2;
	[sflag:s2] =	ssyncadd.s32 $0xFFFF8000  }
0x2ee: {  	_ =	swait.ge [sflag:s3], $0x8000  }
0x2ef: {  	s5 =	rddreg [dreg:$0xc]  }
0x2f0: {  	s16 =	rddreg [dreg:$0xa];
	s5 =	sadd.s32 $0x1, s5  }
0x2f1: {  	p0 =	sne.s32 s5, s16  }
.Ltmp5:
0x2f2: {  	_ = 	snop;
	(pc) =	sbr.rel @p0 .LBB2_1-.Ltmp5, $3  }
0x2f3: {  	_ =	sdelay $0x1  }
0x2f4: {  	[sflag:s3] =	ssyncset.done $0x0  }
0x2f5: {  	[sflag:s3] =	ssyncadd.s32 $0xFFFF8000  }
0x2f6: {  	_ =	sfence.sel $0x180000  }
0x2f7: {  	[bflag:$0x0] =	sbarrier.arrive $0xFFFF  }
0x2f8: {  	_ =	strace $0x90000047  }
0x2f9: {  	s0 =	stileid.u32;
	[bflag:$0x2] =	sbarrier.arrive $0xFFFF  }
0x2fa: {  	p0 =	sne.s32 s0, $0x0;
	s0 =	rddreg [dreg:$0x2]  }
0x2fb: {  	s0 =	sadd.s32 @!p0 $0x100000, s0  }
0x2fc: {  	[sflag:s0] =	ssyncadd.tile.s32 @!p0 $0x1;
	_ =	shalt  }
.Lfunc_end2:
_tile_overlayer_lowered:
.L_overlay_start_2:
0x2fd: {  	(tag) =	ssettag $0x2  }
0x2fe: {  	s0 =	rddreg [dreg:$0x0];
	s2 =	stileid.u32  }
0x2ff: {  	s1 =	rddreg [dreg:$0x1];
	p0 =	sne.s32 s2, $0x0  }
0x300: {  	s3 =	rddreg [dreg:$0x2];
	[bflag:$0x3] =	sbarrier.arrive $0xFFFF;
	s2 =	simm.s32 @!p0 $0x1C03  }
0x301: {  	[timem:s3], [sflag:s2] =	dma.local @!p0 [hbm:s0], s1  }
0x302: {  	s0 =	simm.s32 @!p0 $0x3  }
0x303: {  	_ =	swait.ge @!p0 [sflag:s0], s1  }
0x304: {  	s1 =	ssub.s32 @!p0 $0x0, s1;
	[sflag:s0] =	ssyncset.done @!p0 $0x0  }
0x305: {  	[sflag:s0] =	ssyncadd.s32 @!p0 s1  }
0x306: {  	[bflag:$0x3] =	sbarrier.arrive $0xFFFF  }
0x307: {  	_ =	shalt  }

</sc_bundles>
